<compile_context>
chip_gen: v7x
topology: tpu7x:2x2x1
jax: 0.10.2.dev20260603
libtpu: 0.0.44.dev20260713+nightly
codegen_flags: <defaults>
</compile_context>

<pallas_src>
import jax
import jax.numpy as jnp
from jax import lax
from jax.experimental import pallas as pl
from jax.experimental.pallas import tpu as pltpu
from jax.experimental.pallas import tpu_sc as plsc

KB = 1024
NC = 21
NBINS = NC * 2 * KB
NW = 32
CHUNK = 1024
NCH = 16
CW = NC * CHUNK


def _bin_kernel(x_ref, lab_ref, out_ref):
    hrows = x_ref.shape[2]
    x = x_ref[0]
    m = jnp.max(x, axis=0)
    e = jnp.exp(x - m[None])
    s = jnp.sum(e, axis=0)
    p = e * (1.0 / s)[None]
    lab = lab_ref[0]
    cls = lax.broadcasted_iota(jnp.int32, (NC,) + lab.shape, 0)
    fg = lab[None] == cls
    err = jnp.where(fg, 1.0 - p, p)
    b = jnp.minimum((err * KB).astype(jnp.int32), KB - 1)
    pk = cls * (2 * KB) + jnp.where(fg, KB, 0) + b
    for r in range(hrows // 8):
        blk = pk[:, r * 8:(r + 1) * 8]
        packed = blk[:, :, :256] | (blk[:, :, 256:] << 16)
        out_ref[0, 2 * r] = packed[:, :, :128]
        out_ref[0, 2 * r + 1] = packed[:, :, 128:]


def _make_sc_hist_body(nch):
    def _sc_hist_body(pk_hbm, out_hbm, buf_a, buf_b, hist, sem):
        wid = lax.axis_index("s") * 2 + lax.axis_index("c")
        zeros16 = jnp.zeros((16,), jnp.int32)

        def zbody(j, carry):
            hist[pl.ds(j * 16, 16)] = zeros16
            return carry

        lax.fori_loop(0, NBINS // 16, zbody, 0)

        ones16 = jnp.ones((16,), jnp.int32)
        lanes = lax.iota(jnp.int32, 16)
        diag0 = lanes * jnp.int32(CHUNK + 1)
        base = wid * nch * CW

        def issue(ci, buf):
            return pltpu.async_copy(
                pk_hbm.at[pl.ds(base + ci * CW, CW)], buf, sem)

        def process(buf):
            def gbody(g, c2):
                b = diag0 + g * 16
                idxs = []
                for c in range(NC):
                    if c == 0:
                        idxs.append(b)
                    else:
                        b = b + jnp.int32(CHUNK)
                        idxs.append(
                            jnp.where(lanes + jnp.int32(c) >= jnp.int32(NC),
                                      b - jnp.int32(CW), b))
                vs = [plsc.load_gather(buf, [idx]) for idx in idxs]
                for v in vs:
                    plsc.addupdate_scatter(
                        hist, [v & jnp.int32(0xFFFF)], ones16)
                    plsc.addupdate_scatter(
                        hist, [lax.shift_right_logical(v, 16)], ones16)
                return c2

            lax.fori_loop(0, CHUNK // 16, gbody, 0)

        issue(0, buf_a)

        def chunk_body(i, carry):
            for par, (cur, nxt) in enumerate([(buf_a, buf_b), (buf_b, buf_a)]):
                ci = i * 2 + par
                issue(jnp.minimum(ci + 1, nch - 1), nxt)
                pltpu.make_async_copy(
                    pk_hbm.at[pl.ds(base, CW)], cur, sem).wait()
                process(cur)
            return carry

        lax.fori_loop(0, nch // 2, chunk_body, 0)
        pltpu.make_async_copy(pk_hbm.at[pl.ds(base, CW)], buf_a, sem).wait()
        pltpu.sync_copy(hist, out_hbm.at[wid])

    return _sc_hist_body


def _final_kernel(h_ref, o_ref):
    h = jnp.sum(h_ref[...].astype(jnp.float32), axis=0)
    m_f = h[:, KB:]
    m = h[:, :KB] + m_f
    a = jnp.concatenate([m, m_f], axis=0)
    ii = lax.broadcasted_iota(jnp.int32, (KB, KB), 0)
    jj = lax.broadcasted_iota(jnp.int32, (KB, KB), 1)
    tri = (ii >= jj).astype(jnp.float32)
    s = lax.dot_general(a, tri, (((1,), (0,)), ((), ())),
                        preferred_element_type=jnp.float32)
    s_m, s_f = s[:NC], s[NC:]
    g = s_f[:, 0:1]
    j_in = 1.0 - (g - s_f) / jnp.maximum(g + s_m - s_f, 1.0)
    sme, sfe = s_m - m, s_f - m_f
    j_ex = 1.0 - (g - sfe) / jnp.maximum(g + sme - sfe, 1.0)
    mid = (lax.broadcasted_iota(jnp.int32, (1, KB), 1).astype(jnp.float32)
           + 0.5) / KB
    lc = jnp.sum(mid * (j_in - j_ex), axis=1, keepdims=True)
    present = (g > 0).astype(jnp.float32)
    num = jnp.sum(lc * present, axis=(0, 1), keepdims=True)
    den = jnp.sum(present, axis=(0, 1), keepdims=True)
    o_ref[...] = num / jnp.maximum(den, 1.0)


def kernel(inputs, targets):
    B, C, H, W = inputs.shape
    HB = 64
    hb = H // HB
    pk = pl.pallas_call(
        _bin_kernel,
        grid=(B, hb),
        in_specs=[
            pl.BlockSpec((1, C, HB, W), lambda b, h: (b, 0, h, 0)),
            pl.BlockSpec((1, HB, W), lambda b, h: (b, h, 0)),
        ],
        out_specs=pl.BlockSpec(
            (1, NCH, C, 8, 128),
            lambda b, h: (b * hb + h, 0, 0, 0, 0)),
        out_shape=jax.ShapeDtypeStruct((NW, NCH, C, 8, 128), jnp.int32),
    )(inputs, targets)

    pk = pk.reshape(NW * NCH * C * 8 * 128)

    mesh = plsc.VectorSubcoreMesh(core_axis_name="c", subcore_axis_name="s")
    hists = pl.kernel(
        _make_sc_hist_body(NCH),
        out_type=jax.ShapeDtypeStruct((NW, NBINS), jnp.int32),
        mesh=mesh,
        compiler_params=pltpu.CompilerParams(
            needs_layout_passes=False, disable_bounds_checks=True),
        scratch_types=[
            pltpu.VMEM((CW,), jnp.int32),
            pltpu.VMEM((CW,), jnp.int32),
            pltpu.VMEM((NBINS,), jnp.int32),
            pltpu.SemaphoreType.DMA,
        ],
    )(pk)

    loss = pl.pallas_call(
        _final_kernel,
        out_shape=jax.ShapeDtypeStruct((1, 1), jnp.float32),
    )(hists.reshape(NW, NC, 2 * KB))

    return loss[0, 0]

# --- scband reference (transcript-rebuilt; emitter-appended) ---
"""Pipeline reference for scband-lovasz-softmax-46823733461838 (READ-ONLY COPY).

The authoritative reference and input builder live on the scoring server;
editing this copy changes nothing except your own understanding.
"""

import jax, jax.numpy as jnp
import numpy as np


def lovasz_grad(gt_sorted):
    gts = gt_sorted.sum()
    intersection = gts - jnp.cumsum(gt_sorted)
    union = gts + jnp.cumsum(1.0 - gt_sorted)
    jaccard = 1.0 - intersection / union
    # jaccard[1:p] = jaccard[1:p] - jaccard[0:-1]
    jaccard = jnp.concatenate([jaccard[:1], jaccard[1:] - jaccard[:-1]])
    return jaccard


def setup_inputs(seed: int = 0) -> dict:
    key = jax.random.key(seed)
    k1, k2 = jax.random.split(key)
    inputs = jax.random.normal(k1, (4, 21, 512, 512), dtype=jnp.float32)
    targets = jax.random.randint(k2, (4, 512, 512), 0, 21, dtype=jnp.int32)
    return {"inputs": inputs, "targets": targets}


def reference(inputs, targets):
    loss_weight = 1.0
    # probas = softmax over class dim
    probas = jax.nn.softmax(inputs, axis=1)
    B, C, H, W = probas.shape
    # flatten_probas (ignore=None, valid_pixels=None)
    probas_flat = jnp.transpose(probas, (0, 2, 3, 1)).reshape(-1, C)
    labels_flat = targets.reshape(-1)
    # lovasz_softmax_flat with classes='present'
    losses = []
    present = []
    for c in range(C):
        fg = (labels_flat == c).astype(jnp.float32)
        class_pred = probas_flat[:, c]
        errors = jnp.abs(fg - class_pred)
        perm = jnp.argsort(-errors)
        errors_sorted = errors[perm]
        fg_sorted = fg[perm]
        grad = jax.lax.stop_gradient(lovasz_grad(fg_sorted))
        losses.append(jnp.dot(errors_sorted, grad))
        present.append((fg.sum() > 0).astype(jnp.float32))
    losses = jnp.stack(losses)
    present = jnp.stack(present)
    # 'present' classes: mean over classes that appear in labels
    loss = jnp.sum(losses * present) / jnp.maximum(jnp.sum(present), 1.0)
    return loss_weight * loss

if __name__ == "__main__":
    import jax
    _d = setup_inputs()
    print(jax.jit(kernel)(*tuple(_d.values())))

</pallas_src>

<mosaic_0001>
#map = affine_map<(d0, d1) -> (0)>
#map1 = affine_map<(d0, d1) -> (0, 0)>
module attributes {stable_mosaic.version = 14 : i64} {
  func.func @_sc_hist_body(%arg0: i32, %arg1: i32, %arg2: memref<11010048xi32, #tpu.memory_space<hbm>>, %arg3: memref<32x43008xi32, #tpu.memory_space<hbm>>, %arg4: memref<21504xi32, #tpu.memory_space<vmem>>, %arg5: memref<21504xi32, #tpu.memory_space<vmem>>, %arg6: memref<43008xi32, #tpu.memory_space<vmem>>, %arg7: memref<!tpu.dma_semaphore, #tpu.memory_space<semaphore_mem>>) attributes {dimension_semantics = [#tpu.dimension_semantics<core_parallel>, #tpu.dimension_semantics<subcore_parallel>], iteration_bounds = array<i64: 2, 16>, scalar_prefetch = 0 : i64, scratch_operands = 4 : i64, tpu.core_type = #tpu.core_type<sc_vector_subcore>, window_params = [{transform_indices = #map}, {transform_indices = #map1}]} {
    %mul3A = arith.constant 2 : i32
    %mul3A_0 = arith.muli %arg1, %mul3A : i32
    %add3A = arith.addi %mul3A_0, %arg0 : i32
    %broadcast_in_dim3A = arith.constant 0 : i32
    %broadcast_in_dim3A_1 = vector.broadcast %broadcast_in_dim3A : i32 to vector<16xi32>
    %scan3A = arith.constant 0 : i32
    %scan3A_2 = arith.constant 0 : i32
    %scan3A_3 = arith.constant 2688 : i32
    %scan3A_4 = arith.addi %scan3A_2, %scan3A_3 : i32
    %scan3A_5 = arith.constant 1 : i32
    scf.for %scan3A_26 = %scan3A_2 to %scan3A_4 step %scan3A_5  : i32 {
      %mul3A_27 = arith.constant 16 : i32
      %mul3A_28 = arith.muli %scan3A_26, %mul3A_27 : i32
      %swap3A = arith.index_cast %mul3A_28 : i32 to index
      %swap3A_29 = tpu.vector_load %arg6[%swap3A] {strides = array<i32>} : memref<43008xi32, #tpu.memory_space<vmem>>, vector<16xi32>,
      tpu.vector_store %arg6[%swap3A], %broadcast_in_dim3A_1 {strides = array<i32>} : memref<43008xi32, #tpu.memory_space<vmem>>, vector<16xi32>,
    }
    %scan3A_6 = arith.constant 2688 : i32
    %broadcast_in_dim3A_7 = arith.constant 1 : i32
    %broadcast_in_dim3A_8 = vector.broadcast %broadcast_in_dim3A_7 : i32 to vector<16xi32>
    %iota3A = tpu.iota {dimensions = array<i32: 0>} : vector<16xi32>
    %mul3A_9 = arith.constant 1025 : i32
    %mul3A_10 = vector.broadcast %mul3A_9 : i32 to vector<16xi32>
    %mul3A_11 = arith.muli %iota3A, %mul3A_10 : vector<16xi32>
    %mul3A_12 = arith.constant 16 : i32
    %mul3A_13 = arith.muli %add3A, %mul3A_12 : i32
    %mul3A_14 = arith.constant 21504 : i32
    %mul3A_15 = arith.muli %mul3A_13, %mul3A_14 : i32
    %add3A_16 = arith.constant 0 : i32
    %add3A_17 = arith.addi %mul3A_15, %add3A_16 : i32
    %dma_start3A = tpu.memref_slice %arg2[%add3A_17] : memref<11010048xi32, #tpu.memory_space<hbm>> -> memref<21504xi32, #tpu.memory_space<hbm>>
    %dma_start3A_18 = tpu.memref_slice %arg2[%add3A_17] : memref<11010048xi32, #tpu.memory_space<hbm>> -> memref<21504xi32, #tpu.memory_space<hbm>>
    tpu.enqueue_dma source(%dma_start3A_18 : memref<21504xi32, #tpu.memory_space<hbm>>) target(%arg4 : memref<21504xi32, #tpu.memory_space<vmem>>) target_semaphore(%arg7 : memref<!tpu.dma_semaphore, #tpu.memory_space<semaphore_mem>>)
    %scan3A_19 = arith.constant 0 : i32
    %scan3A_20 = arith.constant 0 : i32
    %scan3A_21 = arith.constant 8 : i32
    %scan3A_22 = arith.addi %scan3A_20, %scan3A_21 : i32
    %scan3A_23 = arith.constant 1 : i32
    scf.for %scan3A_26 = %scan3A_20 to %scan3A_22 step %scan3A_23  : i32 {
      %mul3A_27 = arith.constant 2 : i32
      %mul3A_28 = arith.muli %scan3A_26, %mul3A_27 : i32
      %add3A_29 = arith.constant 0 : i32
      %add3A_30 = arith.addi %mul3A_28, %add3A_29 : i32
      %add3A_31 = arith.constant 1 : i32
      %add3A_32 = arith.addi %add3A_30, %add3A_31 : i32
      %min3A = arith.constant 15 : i32
      %min3A_33 = arith.minsi %add3A_32, %min3A : i32
      %mul3A_34 = arith.constant 21504 : i32
      %mul3A_35 = arith.muli %min3A_33, %mul3A_34 : i32
      %add3A_36 = arith.addi %mul3A_15, %mul3A_35 : i32
      %dma_start3A_37 = tpu.memref_slice %arg2[%add3A_36] : memref<11010048xi32, #tpu.memory_space<hbm>> -> memref<21504xi32, #tpu.memory_space<hbm>>
      %dma_start3A_38 = tpu.memref_slice %arg2[%add3A_36] : memref<11010048xi32, #tpu.memory_space<hbm>> -> memref<21504xi32, #tpu.memory_space<hbm>>
      tpu.enqueue_dma source(%dma_start3A_38 : memref<21504xi32, #tpu.memory_space<hbm>>) target(%arg5 : memref<21504xi32, #tpu.memory_space<vmem>>) target_semaphore(%arg7 : memref<!tpu.dma_semaphore, #tpu.memory_space<semaphore_mem>>)
      %dma_wait3A_39 = tpu.memref_slice %arg2[%mul3A_15] : memref<11010048xi32, #tpu.memory_space<hbm>> -> memref<21504xi32, #tpu.memory_space<hbm>>
      %dma_wait3A_40 = tpu.memref_slice %arg2[%mul3A_15] : memref<11010048xi32, #tpu.memory_space<hbm>> -> memref<21504xi32, #tpu.memory_space<hbm>>
      tpu.wait_dma2 semaphore(%arg7 : memref<!tpu.dma_semaphore, #tpu.memory_space<semaphore_mem>>) src(%dma_wait3A_40 : memref<21504xi32, #tpu.memory_space<hbm>>) dst(%arg4 : memref<21504xi32, #tpu.memory_space<vmem>>)
      %scan3A_41 = arith.constant 0 : i32
      %scan3A_42 = arith.constant 0 : i32
      %scan3A_43 = arith.constant 64 : i32
      %scan3A_44 = arith.addi %scan3A_42, %scan3A_43 : i32
      %scan3A_45 = arith.constant 1 : i32
      scf.for %scan3A_68 = %scan3A_42 to %scan3A_44 step %scan3A_45  : i32 {
        %mul3A_69 = arith.constant 16 : i32
        %mul3A_70 = arith.muli %scan3A_68, %mul3A_69 : i32
        %add3A_71 = vector.broadcast %mul3A_70 : i32 to vector<16xi32>
        %add3A_72 = arith.addi %mul3A_11, %add3A_71 : vector<16xi32>
        %add3A_73 = arith.constant 1024 : i32
        %add3A_74 = vector.broadcast %add3A_73 : i32 to vector<16xi32>
        %add3A_75 = arith.addi %add3A_72, %add3A_74 : vector<16xi32>
        %add3A_76 = arith.constant 1 : i32
        %add3A_77 = vector.broadcast %add3A_76 : i32 to vector<16xi32>
        %add3A_78 = arith.addi %iota3A, %add3A_77 : vector<16xi32>
        %ge3A = arith.constant 21 : i32
        %ge3A_79 = vector.broadcast %ge3A : i32 to vector<16xi32>
        %ge3A_80 = arith.cmpi sge, %add3A_78, %ge3A_79 : vector<16xi32>
        %sub3A = arith.constant 21504 : i32
        %sub3A_81 = vector.broadcast %sub3A : i32 to vector<16xi32>
        %sub3A_82 = arith.subi %add3A_75, %sub3A_81 : vector<16xi32>
        %select_n3A = arith.select %ge3A_80, %sub3A_82, %add3A_75 : vector<16xi1>, vector<16xi32>
        %add3A_83 = arith.constant 1024 : i32
        %add3A_84 = vector.broadcast %add3A_83 : i32 to vector<16xi32>
        %add3A_85 = arith.addi %add3A_75, %add3A_84 : vector<16xi32>
        %add3A_86 = arith.constant 2 : i32
        %add3A_87 = vector.broadcast %add3A_86 : i32 to vector<16xi32>
        %add3A_88 = arith.addi %iota3A, %add3A_87 : vector<16xi32>
        %ge3A_89 = arith.constant 21 : i32
        %ge3A_90 = vector.broadcast %ge3A_89 : i32 to vector<16xi32>
        %ge3A_91 = arith.cmpi sge, %add3A_88, %ge3A_90 : vector<16xi32>
        %sub3A_92 = arith.constant 21504 : i32
        %sub3A_93 = vector.broadcast %sub3A_92 : i32 to vector<16xi32>
        %sub3A_94 = arith.subi %add3A_85, %sub3A_93 : vector<16xi32>
        %select_n3A_95 = arith.select %ge3A_91, %sub3A_94, %add3A_85 : vector<16xi1>, vector<16xi32>
        %add3A_96 = arith.constant 1024 : i32
        %add3A_97 = vector.broadcast %add3A_96 : i32 to vector<16xi32>
        %add3A_98 = arith.addi %add3A_85, %add3A_97 : vector<16xi32>
        %add3A_99 = arith.constant 3 : i32
        %add3A_100 = vector.broadcast %add3A_99 : i32 to vector<16xi32>
        %add3A_101 = arith.addi %iota3A, %add3A_100 : vector<16xi32>
        %ge3A_102 = arith.constant 21 : i32
        %ge3A_103 = vector.broadcast %ge3A_102 : i32 to vector<16xi32>
        %ge3A_104 = arith.cmpi sge, %add3A_101, %ge3A_103 : vector<16xi32>
        %sub3A_105 = arith.constant 21504 : i32
        %sub3A_106 = vector.broadcast %sub3A_105 : i32 to vector<16xi32>
        %sub3A_107 = arith.subi %add3A_98, %sub3A_106 : vector<16xi32>
        %select_n3A_108 = arith.select %ge3A_104, %sub3A_107, %add3A_98 : vector<16xi1>, vector<16xi32>
        %add3A_109 = arith.constant 1024 : i32
        %add3A_110 = vector.broadcast %add3A_109 : i32 to vector<16xi32>
        %add3A_111 = arith.addi %add3A_98, %add3A_110 : vector<16xi32>
        %add3A_112 = arith.constant 4 : i32
        %add3A_113 = vector.broadcast %add3A_112 : i32 to vector<16xi32>
        %add3A_114 = arith.addi %iota3A, %add3A_113 : vector<16xi32>
        %ge3A_115 = arith.constant 21 : i32
        %ge3A_116 = vector.broadcast %ge3A_115 : i32 to vector<16xi32>
        %ge3A_117 = arith.cmpi sge, %add3A_114, %ge3A_116 : vector<16xi32>
        %sub3A_118 = arith.constant 21504 : i32
        %sub3A_119 = vector.broadcast %sub3A_118 : i32 to vector<16xi32>
        %sub3A_120 = arith.subi %add3A_111, %sub3A_119 : vector<16xi32>
        %select_n3A_121 = arith.select %ge3A_117, %sub3A_120, %add3A_111 : vector<16xi1>, vector<16xi32>
        %add3A_122 = arith.constant 1024 : i32
        %add3A_123 = vector.broadcast %add3A_122 : i32 to vector<16xi32>
        %add3A_124 = arith.addi %add3A_111, %add3A_123 : vector<16xi32>
        %add3A_125 = arith.constant 5 : i32
        %add3A_126 = vector.broadcast %add3A_125 : i32 to vector<16xi32>
        %add3A_127 = arith.addi %iota3A, %add3A_126 : vector<16xi32>
        %ge3A_128 = arith.constant 21 : i32
        %ge3A_129 = vector.broadcast %ge3A_128 : i32 to vector<16xi32>
        %ge3A_130 = arith.cmpi sge, %add3A_127, %ge3A_129 : vector<16xi32>
        %sub3A_131 = arith.constant 21504 : i32
        %sub3A_132 = vector.broadcast %sub3A_131 : i32 to vector<16xi32>
        %sub3A_133 = arith.subi %add3A_124, %sub3A_132 : vector<16xi32>
        %select_n3A_134 = arith.select %ge3A_130, %sub3A_133, %add3A_124 : vector<16xi1>, vector<16xi32>
        %add3A_135 = arith.constant 1024 : i32
        %add3A_136 = vector.broadcast %add3A_135 : i32 to vector<16xi32>
        %add3A_137 = arith.addi %add3A_124, %add3A_136 : vector<16xi32>
        %add3A_138 = arith.constant 6 : i32
        %add3A_139 = vector.broadcast %add3A_138 : i32 to vector<16xi32>
        %add3A_140 = arith.addi %iota3A, %add3A_139 : vector<16xi32>
        %ge3A_141 = arith.constant 21 : i32
        %ge3A_142 = vector.broadcast %ge3A_141 : i32 to vector<16xi32>
        %ge3A_143 = arith.cmpi sge, %add3A_140, %ge3A_142 : vector<16xi32>
        %sub3A_144 = arith.constant 21504 : i32
        %sub3A_145 = vector.broadcast %sub3A_144 : i32 to vector<16xi32>
        %sub3A_146 = arith.subi %add3A_137, %sub3A_145 : vector<16xi32>
        %select_n3A_147 = arith.select %ge3A_143, %sub3A_146, %add3A_137 : vector<16xi1>, vector<16xi32>
        %add3A_148 = arith.constant 1024 : i32
        %add3A_149 = vector.broadcast %add3A_148 : i32 to vector<16xi32>
        %add3A_150 = arith.addi %add3A_137, %add3A_149 : vector<16xi32>
        %add3A_151 = arith.constant 7 : i32
        %add3A_152 = vector.broadcast %add3A_151 : i32 to vector<16xi32>
        %add3A_153 = arith.addi %iota3A, %add3A_152 : vector<16xi32>
        %ge3A_154 = arith.constant 21 : i32
        %ge3A_155 = vector.broadcast %ge3A_154 : i32 to vector<16xi32>
        %ge3A_156 = arith.cmpi sge, %add3A_153, %ge3A_155 : vector<16xi32>
        %sub3A_157 = arith.constant 21504 : i32
        %sub3A_158 = vector.broadcast %sub3A_157 : i32 to vector<16xi32>
        %sub3A_159 = arith.subi %add3A_150, %sub3A_158 : vector<16xi32>
        %select_n3A_160 = arith.select %ge3A_156, %sub3A_159, %add3A_150 : vector<16xi1>, vector<16xi32>
        %add3A_161 = arith.constant 1024 : i32
        %add3A_162 = vector.broadcast %add3A_161 : i32 to vector<16xi32>
        %add3A_163 = arith.addi %add3A_150, %add3A_162 : vector<16xi32>
        %add3A_164 = arith.constant 8 : i32
        %add3A_165 = vector.broadcast %add3A_164 : i32 to vector<16xi32>
        %add3A_166 = arith.addi %iota3A, %add3A_165 : vector<16xi32>
        %ge3A_167 = arith.constant 21 : i32
        %ge3A_168 = vector.broadcast %ge3A_167 : i32 to vector<16xi32>
        %ge3A_169 = arith.cmpi sge, %add3A_166, %ge3A_168 : vector<16xi32>
        %sub3A_170 = arith.constant 21504 : i32
        %sub3A_171 = vector.broadcast %sub3A_170 : i32 to vector<16xi32>
        %sub3A_172 = arith.subi %add3A_163, %sub3A_171 : vector<16xi32>
        %select_n3A_173 = arith.select %ge3A_169, %sub3A_172, %add3A_163 : vector<16xi1>, vector<16xi32>
        %add3A_174 = arith.constant 1024 : i32
        %add3A_175 = vector.broadcast %add3A_174 : i32 to vector<16xi32>
        %add3A_176 = arith.addi %add3A_163, %add3A_175 : vector<16xi32>
        %add3A_177 = arith.constant 9 : i32
        %add3A_178 = vector.broadcast %add3A_177 : i32 to vector<16xi32>
        %add3A_179 = arith.addi %iota3A, %add3A_178 : vector<16xi32>
        %ge3A_180 = arith.constant 21 : i32
        %ge3A_181 = vector.broadcast %ge3A_180 : i32 to vector<16xi32>
        %ge3A_182 = arith.cmpi sge, %add3A_179, %ge3A_181 : vector<16xi32>
        %sub3A_183 = arith.constant 21504 : i32
        %sub3A_184 = vector.broadcast %sub3A_183 : i32 to vector<16xi32>
        %sub3A_185 = arith.subi %add3A_176, %sub3A_184 : vector<16xi32>
        %select_n3A_186 = arith.select %ge3A_182, %sub3A_185, %add3A_176 : vector<16xi1>, vector<16xi32>
        %add3A_187 = arith.constant 1024 : i32
        %add3A_188 = vector.broadcast %add3A_187 : i32 to vector<16xi32>
        %add3A_189 = arith.addi %add3A_176, %add3A_188 : vector<16xi32>
        %add3A_190 = arith.constant 10 : i32
        %add3A_191 = vector.broadcast %add3A_190 : i32 to vector<16xi32>
        %add3A_192 = arith.addi %iota3A, %add3A_191 : vector<16xi32>
        %ge3A_193 = arith.constant 21 : i32
        %ge3A_194 = vector.broadcast %ge3A_193 : i32 to vector<16xi32>
        %ge3A_195 = arith.cmpi sge, %add3A_192, %ge3A_194 : vector<16xi32>
        %sub3A_196 = arith.constant 21504 : i32
        %sub3A_197 = vector.broadcast %sub3A_196 : i32 to vector<16xi32>
        %sub3A_198 = arith.subi %add3A_189, %sub3A_197 : vector<16xi32>
        %select_n3A_199 = arith.select %ge3A_195, %sub3A_198, %add3A_189 : vector<16xi1>, vector<16xi32>
        %add3A_200 = arith.constant 1024 : i32
        %add3A_201 = vector.broadcast %add3A_200 : i32 to vector<16xi32>
        %add3A_202 = arith.addi %add3A_189, %add3A_201 : vector<16xi32>
        %add3A_203 = arith.constant 11 : i32
        %add3A_204 = vector.broadcast %add3A_203 : i32 to vector<16xi32>
        %add3A_205 = arith.addi %iota3A, %add3A_204 : vector<16xi32>
        %ge3A_206 = arith.constant 21 : i32
        %ge3A_207 = vector.broadcast %ge3A_206 : i32 to vector<16xi32>
        %ge3A_208 = arith.cmpi sge, %add3A_205, %ge3A_207 : vector<16xi32>
        %sub3A_209 = arith.constant 21504 : i32
        %sub3A_210 = vector.broadcast %sub3A_209 : i32 to vector<16xi32>
        %sub3A_211 = arith.subi %add3A_202, %sub3A_210 : vector<16xi32>
        %select_n3A_212 = arith.select %ge3A_208, %sub3A_211, %add3A_202 : vector<16xi1>, vector<16xi32>
        %add3A_213 = arith.constant 1024 : i32
        %add3A_214 = vector.broadcast %add3A_213 : i32 to vector<16xi32>
        %add3A_215 = arith.addi %add3A_202, %add3A_214 : vector<16xi32>
        %add3A_216 = arith.constant 12 : i32
        %add3A_217 = vector.broadcast %add3A_216 : i32 to vector<16xi32>
        %add3A_218 = arith.addi %iota3A, %add3A_217 : vector<16xi32>
        %ge3A_219 = arith.constant 21 : i32
        %ge3A_220 = vector.broadcast %ge3A_219 : i32 to vector<16xi32>
        %ge3A_221 = arith.cmpi sge, %add3A_218, %ge3A_220 : vector<16xi32>
        %sub3A_222 = arith.constant 21504 : i32
        %sub3A_223 = vector.broadcast %sub3A_222 : i32 to vector<16xi32>
        %sub3A_224 = arith.subi %add3A_215, %sub3A_223 : vector<16xi32>
        %select_n3A_225 = arith.select %ge3A_221, %sub3A_224, %add3A_215 : vector<16xi1>, vector<16xi32>
        %add3A_226 = arith.constant 1024 : i32
        %add3A_227 = vector.broadcast %add3A_226 : i32 to vector<16xi32>
        %add3A_228 = arith.addi %add3A_215, %add3A_227 : vector<16xi32>
        %add3A_229 = arith.constant 13 : i32
        %add3A_230 = vector.broadcast %add3A_229 : i32 to vector<16xi32>
        %add3A_231 = arith.addi %iota3A, %add3A_230 : vector<16xi32>
        %ge3A_232 = arith.constant 21 : i32
        %ge3A_233 = vector.broadcast %ge3A_232 : i32 to vector<16xi32>
        %ge3A_234 = arith.cmpi sge, %add3A_231, %ge3A_233 : vector<16xi32>
        %sub3A_235 = arith.constant 21504 : i32
        %sub3A_236 = vector.broadcast %sub3A_235 : i32 to vector<16xi32>
        %sub3A_237 = arith.subi %add3A_228, %sub3A_236 : vector<16xi32>
        %select_n3A_238 = arith.select %ge3A_234, %sub3A_237, %add3A_228 : vector<16xi1>, vector<16xi32>
        %add3A_239 = arith.constant 1024 : i32
        %add3A_240 = vector.broadcast %add3A_239 : i32 to vector<16xi32>
        %add3A_241 = arith.addi %add3A_228, %add3A_240 : vector<16xi32>
        %add3A_242 = arith.constant 14 : i32
        %add3A_243 = vector.broadcast %add3A_242 : i32 to vector<16xi32>
        %add3A_244 = arith.addi %iota3A, %add3A_243 : vector<16xi32>
        %ge3A_245 = arith.constant 21 : i32
        %ge3A_246 = vector.broadcast %ge3A_245 : i32 to vector<16xi32>
        %ge3A_247 = arith.cmpi sge, %add3A_244, %ge3A_246 : vector<16xi32>
        %sub3A_248 = arith.constant 21504 : i32
        %sub3A_249 = vector.broadcast %sub3A_248 : i32 to vector<16xi32>
        %sub3A_250 = arith.subi %add3A_241, %sub3A_249 : vector<16xi32>
        %select_n3A_251 = arith.select %ge3A_247, %sub3A_250, %add3A_241 : vector<16xi1>, vector<16xi32>
        %add3A_252 = arith.constant 1024 : i32
        %add3A_253 = vector.broadcast %add3A_252 : i32 to vector<16xi32>
        %add3A_254 = arith.addi %add3A_241, %add3A_253 : vector<16xi32>
        %add3A_255 = arith.constant 15 : i32
        %add3A_256 = vector.broadcast %add3A_255 : i32 to vector<16xi32>
        %add3A_257 = arith.addi %iota3A, %add3A_256 : vector<16xi32>
        %ge3A_258 = arith.constant 21 : i32
        %ge3A_259 = vector.broadcast %ge3A_258 : i32 to vector<16xi32>
        %ge3A_260 = arith.cmpi sge, %add3A_257, %ge3A_259 : vector<16xi32>
        %sub3A_261 = arith.constant 21504 : i32
        %sub3A_262 = vector.broadcast %sub3A_261 : i32 to vector<16xi32>
        %sub3A_263 = arith.subi %add3A_254, %sub3A_262 : vector<16xi32>
        %select_n3A_264 = arith.select %ge3A_260, %sub3A_263, %add3A_254 : vector<16xi1>, vector<16xi32>
        %add3A_265 = arith.constant 1024 : i32
        %add3A_266 = vector.broadcast %add3A_265 : i32 to vector<16xi32>
        %add3A_267 = arith.addi %add3A_254, %add3A_266 : vector<16xi32>
        %add3A_268 = arith.constant 16 : i32
        %add3A_269 = vector.broadcast %add3A_268 : i32 to vector<16xi32>
        %add3A_270 = arith.addi %iota3A, %add3A_269 : vector<16xi32>
        %ge3A_271 = arith.constant 21 : i32
        %ge3A_272 = vector.broadcast %ge3A_271 : i32 to vector<16xi32>
        %ge3A_273 = arith.cmpi sge, %add3A_270, %ge3A_272 : vector<16xi32>
        %sub3A_274 = arith.constant 21504 : i32
        %sub3A_275 = vector.broadcast %sub3A_274 : i32 to vector<16xi32>
        %sub3A_276 = arith.subi %add3A_267, %sub3A_275 : vector<16xi32>
        %select_n3A_277 = arith.select %ge3A_273, %sub3A_276, %add3A_267 : vector<16xi1>, vector<16xi32>
        %add3A_278 = arith.constant 1024 : i32
        %add3A_279 = vector.broadcast %add3A_278 : i32 to vector<16xi32>
        %add3A_280 = arith.addi %add3A_267, %add3A_279 : vector<16xi32>
        %add3A_281 = arith.constant 17 : i32
        %add3A_282 = vector.broadcast %add3A_281 : i32 to vector<16xi32>
        %add3A_283 = arith.addi %iota3A, %add3A_282 : vector<16xi32>
        %ge3A_284 = arith.constant 21 : i32
        %ge3A_285 = vector.broadcast %ge3A_284 : i32 to vector<16xi32>
        %ge3A_286 = arith.cmpi sge, %add3A_283, %ge3A_285 : vector<16xi32>
        %sub3A_287 = arith.constant 21504 : i32
        %sub3A_288 = vector.broadcast %sub3A_287 : i32 to vector<16xi32>
        %sub3A_289 = arith.subi %add3A_280, %sub3A_288 : vector<16xi32>
        %select_n3A_290 = arith.select %ge3A_286, %sub3A_289, %add3A_280 : vector<16xi1>, vector<16xi32>
        %add3A_291 = arith.constant 1024 : i32
        %add3A_292 = vector.broadcast %add3A_291 : i32 to vector<16xi32>
        %add3A_293 = arith.addi %add3A_280, %add3A_292 : vector<16xi32>
        %add3A_294 = arith.constant 18 : i32
        %add3A_295 = vector.broadcast %add3A_294 : i32 to vector<16xi32>
        %add3A_296 = arith.addi %iota3A, %add3A_295 : vector<16xi32>
        %ge3A_297 = arith.constant 21 : i32
        %ge3A_298 = vector.broadcast %ge3A_297 : i32 to vector<16xi32>
        %ge3A_299 = arith.cmpi sge, %add3A_296, %ge3A_298 : vector<16xi32>
        %sub3A_300 = arith.constant 21504 : i32
        %sub3A_301 = vector.broadcast %sub3A_300 : i32 to vector<16xi32>
        %sub3A_302 = arith.subi %add3A_293, %sub3A_301 : vector<16xi32>
        %select_n3A_303 = arith.select %ge3A_299, %sub3A_302, %add3A_293 : vector<16xi1>, vector<16xi32>
        %add3A_304 = arith.constant 1024 : i32
        %add3A_305 = vector.broadcast %add3A_304 : i32 to vector<16xi32>
        %add3A_306 = arith.addi %add3A_293, %add3A_305 : vector<16xi32>
        %add3A_307 = arith.constant 19 : i32
        %add3A_308 = vector.broadcast %add3A_307 : i32 to vector<16xi32>
        %add3A_309 = arith.addi %iota3A, %add3A_308 : vector<16xi32>
        %ge3A_310 = arith.constant 21 : i32
        %ge3A_311 = vector.broadcast %ge3A_310 : i32 to vector<16xi32>
        %ge3A_312 = arith.cmpi sge, %add3A_309, %ge3A_311 : vector<16xi32>
        %sub3A_313 = arith.constant 21504 : i32
        %sub3A_314 = vector.broadcast %sub3A_313 : i32 to vector<16xi32>
        %sub3A_315 = arith.subi %add3A_306, %sub3A_314 : vector<16xi32>
        %select_n3A_316 = arith.select %ge3A_312, %sub3A_315, %add3A_306 : vector<16xi1>, vector<16xi32>
        %add3A_317 = arith.constant 1024 : i32
        %add3A_318 = vector.broadcast %add3A_317 : i32 to vector<16xi32>
        %add3A_319 = arith.addi %add3A_306, %add3A_318 : vector<16xi32>
        %add3A_320 = arith.constant 20 : i32
        %add3A_321 = vector.broadcast %add3A_320 : i32 to vector<16xi32>
        %add3A_322 = arith.addi %iota3A, %add3A_321 : vector<16xi32>
        %ge3A_323 = arith.constant 21 : i32
        %ge3A_324 = vector.broadcast %ge3A_323 : i32 to vector<16xi32>
        %ge3A_325 = arith.cmpi sge, %add3A_322, %ge3A_324 : vector<16xi32>
        %sub3A_326 = arith.constant 21504 : i32
        %sub3A_327 = vector.broadcast %sub3A_326 : i32 to vector<16xi32>
        %sub3A_328 = arith.subi %add3A_319, %sub3A_327 : vector<16xi32>
        %select_n3A_329 = arith.select %ge3A_325, %sub3A_328, %add3A_319 : vector<16xi1>, vector<16xi32>
        %gather3A = tpu.vector_load_idx %arg4[%add3A_72] : memref<21504xi32, #tpu.memory_space<vmem>>[vector<16xi32>], vector<16xi32>,
        %gather3A_330 = tpu.vector_load_idx %arg4[%select_n3A] : memref<21504xi32, #tpu.memory_space<vmem>>[vector<16xi32>], vector<16xi32>,
        %gather3A_331 = tpu.vector_load_idx %arg4[%select_n3A_95] : memref<21504xi32, #tpu.memory_space<vmem>>[vector<16xi32>], vector<16xi32>,
        %gather3A_332 = tpu.vector_load_idx %arg4[%select_n3A_108] : memref<21504xi32, #tpu.memory_space<vmem>>[vector<16xi32>], vector<16xi32>,
        %gather3A_333 = tpu.vector_load_idx %arg4[%select_n3A_121] : memref<21504xi32, #tpu.memory_space<vmem>>[vector<16xi32>], vector<16xi32>,
        %gather3A_334 = tpu.vector_load_idx %arg4[%select_n3A_134] : memref<21504xi32, #tpu.memory_space<vmem>>[vector<16xi32>], vector<16xi32>,
        %gather3A_335 = tpu.vector_load_idx %arg4[%select_n3A_147] : memref<21504xi32, #tpu.memory_space<vmem>>[vector<16xi32>], vector<16xi32>,
        %gather3A_336 = tpu.vector_load_idx %arg4[%select_n3A_160] : memref<21504xi32, #tpu.memory_space<vmem>>[vector<16xi32>], vector<16xi32>,
        %gather3A_337 = tpu.vector_load_idx %arg4[%select_n3A_173] : memref<21504xi32, #tpu.memory_space<vmem>>[vector<16xi32>], vector<16xi32>,
        %gather3A_338 = tpu.vector_load_idx %arg4[%select_n3A_186] : memref<21504xi32, #tpu.memory_space<vmem>>[vector<16xi32>], vector<16xi32>,
        %gather3A_339 = tpu.vector_load_idx %arg4[%select_n3A_199] : memref<21504xi32, #tpu.memory_space<vmem>>[vector<16xi32>], vector<16xi32>,
        %gather3A_340 = tpu.vector_load_idx %arg4[%select_n3A_212] : memref<21504xi32, #tpu.memory_space<vmem>>[vector<16xi32>], vector<16xi32>,
        %gather3A_341 = tpu.vector_load_idx %arg4[%select_n3A_225] : memref<21504xi32, #tpu.memory_space<vmem>>[vector<16xi32>], vector<16xi32>,
        %gather3A_342 = tpu.vector_load_idx %arg4[%select_n3A_238] : memref<21504xi32, #tpu.memory_space<vmem>>[vector<16xi32>], vector<16xi32>,
        %gather3A_343 = tpu.vector_load_idx %arg4[%select_n3A_251] : memref<21504xi32, #tpu.memory_space<vmem>>[vector<16xi32>], vector<16xi32>,
        %gather3A_344 = tpu.vector_load_idx %arg4[%select_n3A_264] : memref<21504xi32, #tpu.memory_space<vmem>>[vector<16xi32>], vector<16xi32>,
        %gather3A_345 = tpu.vector_load_idx %arg4[%select_n3A_277] : memref<21504xi32, #tpu.memory_space<vmem>>[vector<16xi32>], vector<16xi32>,
        %gather3A_346 = tpu.vector_load_idx %arg4[%select_n3A_290] : memref<21504xi32, #tpu.memory_space<vmem>>[vector<16xi32>], vector<16xi32>,
        %gather3A_347 = tpu.vector_load_idx %arg4[%select_n3A_303] : memref<21504xi32, #tpu.memory_space<vmem>>[vector<16xi32>], vector<16xi32>,
        %gather3A_348 = tpu.vector_load_idx %arg4[%select_n3A_316] : memref<21504xi32, #tpu.memory_space<vmem>>[vector<16xi32>], vector<16xi32>,
        %gather3A_349 = tpu.vector_load_idx %arg4[%select_n3A_329] : memref<21504xi32, #tpu.memory_space<vmem>>[vector<16xi32>], vector<16xi32>,
        %and3A = arith.constant 65535 : i32
        %and3A_350 = vector.broadcast %and3A : i32 to vector<16xi32>
        %and3A_351 = arith.andi %gather3A, %and3A_350 : vector<16xi32>
        tpu.vector_store_idx %arg6[%and3A_351], %broadcast_in_dim3A_8 {add = true} : memref<43008xi32, #tpu.memory_space<vmem>>[vector<16xi32>], vector<16xi32>,
        %shift_right_logical3A = arith.constant 16 : i32
        %shift_right_logical3A_352 = vector.broadcast %shift_right_logical3A : i32 to vector<16xi32>
        %shift_right_logical3A_353 = arith.shrui %gather3A, %shift_right_logical3A_352 : vector<16xi32>
        tpu.vector_store_idx %arg6[%shift_right_logical3A_353], %broadcast_in_dim3A_8 {add = true} : memref<43008xi32, #tpu.memory_space<vmem>>[vector<16xi32>], vector<16xi32>,
        %and3A_354 = arith.constant 65535 : i32
        %and3A_355 = vector.broadcast %and3A_354 : i32 to vector<16xi32>
        %and3A_356 = arith.andi %gather3A_330, %and3A_355 : vector<16xi32>
        tpu.vector_store_idx %arg6[%and3A_356], %broadcast_in_dim3A_8 {add = true} : memref<43008xi32, #tpu.memory_space<vmem>>[vector<16xi32>], vector<16xi32>,
        %shift_right_logical3A_357 = arith.constant 16 : i32
        %shift_right_logical3A_358 = vector.broadcast %shift_right_logical3A_357 : i32 to vector<16xi32>
        %shift_right_logical3A_359 = arith.shrui %gather3A_330, %shift_right_logical3A_358 : vector<16xi32>
        tpu.vector_store_idx %arg6[%shift_right_logical3A_359], %broadcast_in_dim3A_8 {add = true} : memref<43008xi32, #tpu.memory_space<vmem>>[vector<16xi32>], vector<16xi32>,
        %and3A_360 = arith.constant 65535 : i32
        %and3A_361 = vector.broadcast %and3A_360 : i32 to vector<16xi32>
        %and3A_362 = arith.andi %gather3A_331, %and3A_361 : vector<16xi32>
        tpu.vector_store_idx %arg6[%and3A_362], %broadcast_in_dim3A_8 {add = true} : memref<43008xi32, #tpu.memory_space<vmem>>[vector<16xi32>], vector<16xi32>,
        %shift_right_logical3A_363 = arith.constant 16 : i32
        %shift_right_logical3A_364 = vector.broadcast %shift_right_logical3A_363 : i32 to vector<16xi32>
        %shift_right_logical3A_365 = arith.shrui %gather3A_331, %shift_right_logical3A_364 : vector<16xi32>
        tpu.vector_store_idx %arg6[%shift_right_logical3A_365], %broadcast_in_dim3A_8 {add = true} : memref<43008xi32, #tpu.memory_space<vmem>>[vector<16xi32>], vector<16xi32>,
        %and3A_366 = arith.constant 65535 : i32
        %and3A_367 = vector.broadcast %and3A_366 : i32 to vector<16xi32>
        %and3A_368 = arith.andi %gather3A_332, %and3A_367 : vector<16xi32>
        tpu.vector_store_idx %arg6[%and3A_368], %broadcast_in_dim3A_8 {add = true} : memref<43008xi32, #tpu.memory_space<vmem>>[vector<16xi32>], vector<16xi32>,
        %shift_right_logical3A_369 = arith.constant 16 : i32
        %shift_right_logical3A_370 = vector.broadcast %shift_right_logical3A_369 : i32 to vector<16xi32>
        %shift_right_logical3A_371 = arith.shrui %gather3A_332, %shift_right_logical3A_370 : vector<16xi32>
        tpu.vector_store_idx %arg6[%shift_right_logical3A_371], %broadcast_in_dim3A_8 {add = true} : memref<43008xi32, #tpu.memory_space<vmem>>[vector<16xi32>], vector<16xi32>,
        %and3A_372 = arith.constant 65535 : i32
        %and3A_373 = vector.broadcast %and3A_372 : i32 to vector<16xi32>
        %and3A_374 = arith.andi %gather3A_333, %and3A_373 : vector<16xi32>
        tpu.vector_store_idx %arg6[%and3A_374], %broadcast_in_dim3A_8 {add = true} : memref<43008xi32, #tpu.memory_space<vmem>>[vector<16xi32>], vector<16xi32>,
        %shift_right_logical3A_375 = arith.constant 16 : i32
        %shift_right_logical3A_376 = vector.broadcast %shift_right_logical3A_375 : i32 to vector<16xi32>
        %shift_right_logical3A_377 = arith.shrui %gather3A_333, %shift_right_logical3A_376 : vector<16xi32>
        tpu.vector_store_idx %arg6[%shift_right_logical3A_377], %broadcast_in_dim3A_8 {add = true} : memref<43008xi32, #tpu.memory_space<vmem>>[vector<16xi32>], vector<16xi32>,
        %and3A_378 = arith.constant 65535 : i32
        %and3A_379 = vector.broadcast %and3A_378 : i32 to vector<16xi32>
        %and3A_380 = arith.andi %gather3A_334, %and3A_379 : vector<16xi32>
        tpu.vector_store_idx %arg6[%and3A_380], %broadcast_in_dim3A_8 {add = true} : memref<43008xi32, #tpu.memory_space<vmem>>[vector<16xi32>], vector<16xi32>,
        %shift_right_logical3A_381 = arith.constant 16 : i32
        %shift_right_logical3A_382 = vector.broadcast %shift_right_logical3A_381 : i32 to vector<16xi32>
        %shift_right_logical3A_383 = arith.shrui %gather3A_334, %shift_right_logical3A_382 : vector<16xi32>
        tpu.vector_store_idx %arg6[%shift_right_logical3A_383], %broadcast_in_dim3A_8 {add = true} : memref<43008xi32, #tpu.memory_space<vmem>>[vector<16xi32>], vector<16xi32>,
        %and3A_384 = arith.constant 65535 : i32
        %and3A_385 = vector.broadcast %and3A_384 : i32 to vector<16xi32>
        %and3A_386 = arith.andi %gather3A_335, %and3A_385 : vector<16xi32>
        tpu.vector_store_idx %arg6[%and3A_386], %broadcast_in_dim3A_8 {add = true} : memref<43008xi32, #tpu.memory_space<vmem>>[vector<16xi32>], vector<16xi32>,
        %shift_right_logical3A_387 = arith.constant 16 : i32
        %shift_right_logical3A_388 = vector.broadcast %shift_right_logical3A_387 : i32 to vector<16xi32>
        %shift_right_logical3A_389 = arith.shrui %gather3A_335, %shift_right_logical3A_388 : vector<16xi32>
        tpu.vector_store_idx %arg6[%shift_right_logical3A_389], %broadcast_in_dim3A_8 {add = true} : memref<43008xi32, #tpu.memory_space<vmem>>[vector<16xi32>], vector<16xi32>,
        %and3A_390 = arith.constant 65535 : i32
        %and3A_391 = vector.broadcast %and3A_390 : i32 to vector<16xi32>
        %and3A_392 = arith.andi %gather3A_336, %and3A_391 : vector<16xi32>
        tpu.vector_store_idx %arg6[%and3A_392], %broadcast_in_dim3A_8 {add = true} : memref<43008xi32, #tpu.memory_space<vmem>>[vector<16xi32>], vector<16xi32>,
        %shift_right_logical3A_393 = arith.constant 16 : i32
        %shift_right_logical3A_394 = vector.broadcast %shift_right_logical3A_393 : i32 to vector<16xi32>
        %shift_right_logical3A_395 = arith.shrui %gather3A_336, %shift_right_logical3A_394 : vector<16xi32>
        tpu.vector_store_idx %arg6[%shift_right_logical3A_395], %broadcast_in_dim3A_8 {add = true} : memref<43008xi32, #tpu.memory_space<vmem>>[vector<16xi32>], vector<16xi32>,
        %and3A_396 = arith.constant 65535 : i32
        %and3A_397 = vector.broadcast %and3A_396 : i32 to vector<16xi32>
        %and3A_398 = arith.andi %gather3A_337, %and3A_397 : vector<16xi32>
        tpu.vector_store_idx %arg6[%and3A_398], %broadcast_in_dim3A_8 {add = true} : memref<43008xi32, #tpu.memory_space<vmem>>[vector<16xi32>], vector<16xi32>,
        %shift_right_logical3A_399 = arith.constant 16 : i32
        %shift_right_logical3A_400 = vector.broadcast %shift_right_logical3A_399 : i32 to vector<16xi32>
        %shift_right_logical3A_401 = arith.shrui %gather3A_337, %shift_right_logical3A_400 : vector<16xi32>
        tpu.vector_store_idx %arg6[%shift_right_logical3A_401], %broadcast_in_dim3A_8 {add = true} : memref<43008xi32, #tpu.memory_space<vmem>>[vector<16xi32>], vector<16xi32>,
        %and3A_402 = arith.constant 65535 : i32
        %and3A_403 = vector.broadcast %and3A_402 : i32 to vector<16xi32>
        %and3A_404 = arith.andi %gather3A_338, %and3A_403 : vector<16xi32>
        tpu.vector_store_idx %arg6[%and3A_404], %broadcast_in_dim3A_8 {add = true} : memref<43008xi32, #tpu.memory_space<vmem>>[vector<16xi32>], vector<16xi32>,
        %shift_right_logical3A_405 = arith.constant 16 : i32
        %shift_right_logical3A_406 = vector.broadcast %shift_right_logical3A_405 : i32 to vector<16xi32>
        %shift_right_logical3A_407 = arith.shrui %gather3A_338, %shift_right_logical3A_406 : vector<16xi32>
        tpu.vector_store_idx %arg6[%shift_right_logical3A_407], %broadcast_in_dim3A_8 {add = true} : memref<43008xi32, #tpu.memory_space<vmem>>[vector<16xi32>], vector<16xi32>,
        %and3A_408 = arith.constant 65535 : i32
        %and3A_409 = vector.broadcast %and3A_408 : i32 to vector<16xi32>
        %and3A_410 = arith.andi %gather3A_339, %and3A_409 : vector<16xi32>
        tpu.vector_store_idx %arg6[%and3A_410], %broadcast_in_dim3A_8 {add = true} : memref<43008xi32, #tpu.memory_space<vmem>>[vector<16xi32>], vector<16xi32>,
        %shift_right_logical3A_411 = arith.constant 16 : i32
        %shift_right_logical3A_412 = vector.broadcast %shift_right_logical3A_411 : i32 to vector<16xi32>
        %shift_right_logical3A_413 = arith.shrui %gather3A_339, %shift_right_logical3A_412 : vector<16xi32>
        tpu.vector_store_idx %arg6[%shift_right_logical3A_413], %broadcast_in_dim3A_8 {add = true} : memref<43008xi32, #tpu.memory_space<vmem>>[vector<16xi32>], vector<16xi32>,
        %and3A_414 = arith.constant 65535 : i32
        %and3A_415 = vector.broadcast %and3A_414 : i32 to vector<16xi32>
        %and3A_416 = arith.andi %gather3A_340, %and3A_415 : vector<16xi32>
        tpu.vector_store_idx %arg6[%and3A_416], %broadcast_in_dim3A_8 {add = true} : memref<43008xi32, #tpu.memory_space<vmem>>[vector<16xi32>], vector<16xi32>,
        %shift_right_logical3A_417 = arith.constant 16 : i32
        %shift_right_logical3A_418 = vector.broadcast %shift_right_logical3A_417 : i32 to vector<16xi32>
        %shift_right_logical3A_419 = arith.shrui %gather3A_340, %shift_right_logical3A_418 : vector<16xi32>
        tpu.vector_store_idx %arg6[%shift_right_logical3A_419], %broadcast_in_dim3A_8 {add = true} : memref<43008xi32, #tpu.memory_space<vmem>>[vector<16xi32>], vector<16xi32>,
        %and3A_420 = arith.constant 65535 : i32
        %and3A_421 = vector.broadcast %and3A_420 : i32 to vector<16xi32>
        %and3A_422 = arith.andi %gather3A_341, %and3A_421 : vector<16xi32>
        tpu.vector_store_idx %arg6[%and3A_422], %broadcast_in_dim3A_8 {add = true} : memref<43008xi32, #tpu.memory_space<vmem>>[vector<16xi32>], vector<16xi32>,
        %shift_right_logical3A_423 = arith.constant 16 : i32
        %shift_right_logical3A_424 = vector.broadcast %shift_right_logical3A_423 : i32 to vector<16xi32>
        %shift_right_logical3A_425 = arith.shrui %gather3A_341, %shift_right_logical3A_424 : vector<16xi32>
        tpu.vector_store_idx %arg6[%shift_right_logical3A_425], %broadcast_in_dim3A_8 {add = true} : memref<43008xi32, #tpu.memory_space<vmem>>[vector<16xi32>], vector<16xi32>,
        %and3A_426 = arith.constant 65535 : i32
        %and3A_427 = vector.broadcast %and3A_426 : i32 to vector<16xi32>
        %and3A_428 = arith.andi %gather3A_342, %and3A_427 : vector<16xi32>
        tpu.vector_store_idx %arg6[%and3A_428], %broadcast_in_dim3A_8 {add = true} : memref<43008xi32, #tpu.memory_space<vmem>>[vector<16xi32>], vector<16xi32>,
        %shift_right_logical3A_429 = arith.constant 16 : i32
        %shift_right_logical3A_430 = vector.broadcast %shift_right_logical3A_429 : i32 to vector<16xi32>
        %shift_right_logical3A_431 = arith.shrui %gather3A_342, %shift_right_logical3A_430 : vector<16xi32>
        tpu.vector_store_idx %arg6[%shift_right_logical3A_431], %broadcast_in_dim3A_8 {add = true} : memref<43008xi32, #tpu.memory_space<vmem>>[vector<16xi32>], vector<16xi32>,
        %and3A_432 = arith.constant 65535 : i32
        %and3A_433 = vector.broadcast %and3A_432 : i32 to vector<16xi32>
        %and3A_434 = arith.andi %gather3A_343, %and3A_433 : vector<16xi32>
        tpu.vector_store_idx %arg6[%and3A_434], %broadcast_in_dim3A_8 {add = true} : memref<43008xi32, #tpu.memory_space<vmem>>[vector<16xi32>], vector<16xi32>,
        %shift_right_logical3A_435 = arith.constant 16 : i32
        %shift_right_logical3A_436 = vector.broadcast %shift_right_logical3A_435 : i32 to vector<16xi32>
        %shift_right_logical3A_437 = arith.shrui %gather3A_343, %shift_right_logical3A_436 : vector<16xi32>
        tpu.vector_store_idx %arg6[%shift_right_logical3A_437], %broadcast_in_dim3A_8 {add = true} : memref<43008xi32, #tpu.memory_space<vmem>>[vector<16xi32>], vector<16xi32>,
        %and3A_438 = arith.constant 65535 : i32
        %and3A_439 = vector.broadcast %and3A_438 : i32 to vector<16xi32>
        %and3A_440 = arith.andi %gather3A_344, %and3A_439 : vector<16xi32>
        tpu.vector_store_idx %arg6[%and3A_440], %broadcast_in_dim3A_8 {add = true} : memref<43008xi32, #tpu.memory_space<vmem>>[vector<16xi32>], vector<16xi32>,
        %shift_right_logical3A_441 = arith.constant 16 : i32
        %shift_right_logical3A_442 = vector.broadcast %shift_right_logical3A_441 : i32 to vector<16xi32>
        %shift_right_logical3A_443 = arith.shrui %gather3A_344, %shift_right_logical3A_442 : vector<16xi32>
        tpu.vector_store_idx %arg6[%shift_right_logical3A_443], %broadcast_in_dim3A_8 {add = true} : memref<43008xi32, #tpu.memory_space<vmem>>[vector<16xi32>], vector<16xi32>,
        %and3A_444 = arith.constant 65535 : i32
        %and3A_445 = vector.broadcast %and3A_444 : i32 to vector<16xi32>
        %and3A_446 = arith.andi %gather3A_345, %and3A_445 : vector<16xi32>
        tpu.vector_store_idx %arg6[%and3A_446], %broadcast_in_dim3A_8 {add = true} : memref<43008xi32, #tpu.memory_space<vmem>>[vector<16xi32>], vector<16xi32>,
        %shift_right_logical3A_447 = arith.constant 16 : i32
        %shift_right_logical3A_448 = vector.broadcast %shift_right_logical3A_447 : i32 to vector<16xi32>
        %shift_right_logical3A_449 = arith.shrui %gather3A_345, %shift_right_logical3A_448 : vector<16xi32>
        tpu.vector_store_idx %arg6[%shift_right_logical3A_449], %broadcast_in_dim3A_8 {add = true} : memref<43008xi32, #tpu.memory_space<vmem>>[vector<16xi32>], vector<16xi32>,
        %and3A_450 = arith.constant 65535 : i32
        %and3A_451 = vector.broadcast %and3A_450 : i32 to vector<16xi32>
        %and3A_452 = arith.andi %gather3A_346, %and3A_451 : vector<16xi32>
        tpu.vector_store_idx %arg6[%and3A_452], %broadcast_in_dim3A_8 {add = true} : memref<43008xi32, #tpu.memory_space<vmem>>[vector<16xi32>], vector<16xi32>,
        %shift_right_logical3A_453 = arith.constant 16 : i32
        %shift_right_logical3A_454 = vector.broadcast %shift_right_logical3A_453 : i32 to vector<16xi32>
        %shift_right_logical3A_455 = arith.shrui %gather3A_346, %shift_right_logical3A_454 : vector<16xi32>
        tpu.vector_store_idx %arg6[%shift_right_logical3A_455], %broadcast_in_dim3A_8 {add = true} : memref<43008xi32, #tpu.memory_space<vmem>>[vector<16xi32>], vector<16xi32>,
        %and3A_456 = arith.constant 65535 : i32
        %and3A_457 = vector.broadcast %and3A_456 : i32 to vector<16xi32>
        %and3A_458 = arith.andi %gather3A_347, %and3A_457 : vector<16xi32>
        tpu.vector_store_idx %arg6[%and3A_458], %broadcast_in_dim3A_8 {add = true} : memref<43008xi32, #tpu.memory_space<vmem>>[vector<16xi32>], vector<16xi32>,
        %shift_right_logical3A_459 = arith.constant 16 : i32
        %shift_right_logical3A_460 = vector.broadcast %shift_right_logical3A_459 : i32 to vector<16xi32>
        %shift_right_logical3A_461 = arith.shrui %gather3A_347, %shift_right_logical3A_460 : vector<16xi32>
        tpu.vector_store_idx %arg6[%shift_right_logical3A_461], %broadcast_in_dim3A_8 {add = true} : memref<43008xi32, #tpu.memory_space<vmem>>[vector<16xi32>], vector<16xi32>,
        %and3A_462 = arith.constant 65535 : i32
        %and3A_463 = vector.broadcast %and3A_462 : i32 to vector<16xi32>
        %and3A_464 = arith.andi %gather3A_348, %and3A_463 : vector<16xi32>
        tpu.vector_store_idx %arg6[%and3A_464], %broadcast_in_dim3A_8 {add = true} : memref<43008xi32, #tpu.memory_space<vmem>>[vector<16xi32>], vector<16xi32>,
        %shift_right_logical3A_465 = arith.constant 16 : i32
        %shift_right_logical3A_466 = vector.broadcast %shift_right_logical3A_465 : i32 to vector<16xi32>
        %shift_right_logical3A_467 = arith.shrui %gather3A_348, %shift_right_logical3A_466 : vector<16xi32>
        tpu.vector_store_idx %arg6[%shift_right_logical3A_467], %broadcast_in_dim3A_8 {add = true} : memref<43008xi32, #tpu.memory_space<vmem>>[vector<16xi32>], vector<16xi32>,
        %and3A_468 = arith.constant 65535 : i32
        %and3A_469 = vector.broadcast %and3A_468 : i32 to vector<16xi32>
        %and3A_470 = arith.andi %gather3A_349, %and3A_469 : vector<16xi32>
        tpu.vector_store_idx %arg6[%and3A_470], %broadcast_in_dim3A_8 {add = true} : memref<43008xi32, #tpu.memory_space<vmem>>[vector<16xi32>], vector<16xi32>,
        %shift_right_logical3A_471 = arith.constant 16 : i32
        %shift_right_logical3A_472 = vector.broadcast %shift_right_logical3A_471 : i32 to vector<16xi32>
        %shift_right_logical3A_473 = arith.shrui %gather3A_349, %shift_right_logical3A_472 : vector<16xi32>
        tpu.vector_store_idx %arg6[%shift_right_logical3A_473], %broadcast_in_dim3A_8 {add = true} : memref<43008xi32, #tpu.memory_space<vmem>>[vector<16xi32>], vector<16xi32>,
      }
      %scan3A_46 = arith.constant 64 : i32
      %mul3A_47 = arith.constant 2 : i32
      %mul3A_48 = arith.muli %scan3A_26, %mul3A_47 : i32
      %add3A_49 = arith.constant 1 : i32
      %add3A_50 = arith.addi %mul3A_48, %add3A_49 : i32
      %add3A_51 = arith.constant 1 : i32
      %add3A_52 = arith.addi %add3A_50, %add3A_51 : i32
      %min3A_53 = arith.constant 15 : i32
      %min3A_54 = arith.minsi %add3A_52, %min3A_53 : i32
      %mul3A_55 = arith.constant 21504 : i32
      %mul3A_56 = arith.muli %min3A_54, %mul3A_55 : i32
      %add3A_57 = arith.addi %mul3A_15, %mul3A_56 : i32
      %dma_start3A_58 = tpu.memref_slice %arg2[%add3A_57] : memref<11010048xi32, #tpu.memory_space<hbm>> -> memref<21504xi32, #tpu.memory_space<hbm>>
      %dma_start3A_59 = tpu.memref_slice %arg2[%add3A_57] : memref<11010048xi32, #tpu.memory_space<hbm>> -> memref<21504xi32, #tpu.memory_space<hbm>>
      tpu.enqueue_dma source(%dma_start3A_59 : memref<21504xi32, #tpu.memory_space<hbm>>) target(%arg4 : memref<21504xi32, #tpu.memory_space<vmem>>) target_semaphore(%arg7 : memref<!tpu.dma_semaphore, #tpu.memory_space<semaphore_mem>>)
      %dma_wait3A_60 = tpu.memref_slice %arg2[%mul3A_15] : memref<11010048xi32, #tpu.memory_space<hbm>> -> memref<21504xi32, #tpu.memory_space<hbm>>
      %dma_wait3A_61 = tpu.memref_slice %arg2[%mul3A_15] : memref<11010048xi32, #tpu.memory_space<hbm>> -> memref<21504xi32, #tpu.memory_space<hbm>>
      tpu.wait_dma2 semaphore(%arg7 : memref<!tpu.dma_semaphore, #tpu.memory_space<semaphore_mem>>) src(%dma_wait3A_61 : memref<21504xi32, #tpu.memory_space<hbm>>) dst(%arg5 : memref<21504xi32, #tpu.memory_space<vmem>>)
      %scan3A_62 = arith.constant 0 : i32
      %scan3A_63 = arith.constant 0 : i32
      %scan3A_64 = arith.constant 64 : i32
      %scan3A_65 = arith.addi %scan3A_63, %scan3A_64 : i32
      %scan3A_66 = arith.constant 1 : i32
      scf.for %scan3A_68 = %scan3A_63 to %scan3A_65 step %scan3A_66  : i32 {
        %mul3A_69 = arith.constant 16 : i32
        %mul3A_70 = arith.muli %scan3A_68, %mul3A_69 : i32
        %add3A_71 = vector.broadcast %mul3A_70 : i32 to vector<16xi32>
        %add3A_72 = arith.addi %mul3A_11, %add3A_71 : vector<16xi32>
        %add3A_73 = arith.constant 1024 : i32
        %add3A_74 = vector.broadcast %add3A_73 : i32 to vector<16xi32>
        %add3A_75 = arith.addi %add3A_72, %add3A_74 : vector<16xi32>
        %add3A_76 = arith.constant 1 : i32
        %add3A_77 = vector.broadcast %add3A_76 : i32 to vector<16xi32>
        %add3A_78 = arith.addi %iota3A, %add3A_77 : vector<16xi32>
        %ge3A = arith.constant 21 : i32
        %ge3A_79 = vector.broadcast %ge3A : i32 to vector<16xi32>
        %ge3A_80 = arith.cmpi sge, %add3A_78, %ge3A_79 : vector<16xi32>
        %sub3A = arith.constant 21504 : i32
        %sub3A_81 = vector.broadcast %sub3A : i32 to vector<16xi32>
        %sub3A_82 = arith.subi %add3A_75, %sub3A_81 : vector<16xi32>
        %select_n3A = arith.select %ge3A_80, %sub3A_82, %add3A_75 : vector<16xi1>, vector<16xi32>
        %add3A_83 = arith.constant 1024 : i32
        %add3A_84 = vector.broadcast %add3A_83 : i32 to vector<16xi32>
        %add3A_85 = arith.addi %add3A_75, %add3A_84 : vector<16xi32>
        %add3A_86 = arith.constant 2 : i32
        %add3A_87 = vector.broadcast %add3A_86 : i32 to vector<16xi32>
        %add3A_88 = arith.addi %iota3A, %add3A_87 : vector<16xi32>
        %ge3A_89 = arith.constant 21 : i32
        %ge3A_90 = vector.broadcast %ge3A_89 : i32 to vector<16xi32>
        %ge3A_91 = arith.cmpi sge, %add3A_88, %ge3A_90 : vector<16xi32>
        %sub3A_92 = arith.constant 21504 : i32
        %sub3A_93 = vector.broadcast %sub3A_92 : i32 to vector<16xi32>
        %sub3A_94 = arith.subi %add3A_85, %sub3A_93 : vector<16xi32>
        %select_n3A_95 = arith.select %ge3A_91, %sub3A_94, %add3A_85 : vector<16xi1>, vector<16xi32>
        %add3A_96 = arith.constant 1024 : i32
        %add3A_97 = vector.broadcast %add3A_96 : i32 to vector<16xi32>
        %add3A_98 = arith.addi %add3A_85, %add3A_97 : vector<16xi32>
        %add3A_99 = arith.constant 3 : i32
        %add3A_100 = vector.broadcast %add3A_99 : i32 to vector<16xi32>
        %add3A_101 = arith.addi %iota3A, %add3A_100 : vector<16xi32>
        %ge3A_102 = arith.constant 21 : i32
        %ge3A_103 = vector.broadcast %ge3A_102 : i32 to vector<16xi32>
        %ge3A_104 = arith.cmpi sge, %add3A_101, %ge3A_103 : vector<16xi32>
        %sub3A_105 = arith.constant 21504 : i32
        %sub3A_106 = vector.broadcast %sub3A_105 : i32 to vector<16xi32>
        %sub3A_107 = arith.subi %add3A_98, %sub3A_106 : vector<16xi32>
        %select_n3A_108 = arith.select %ge3A_104, %sub3A_107, %add3A_98 : vector<16xi1>, vector<16xi32>
        %add3A_109 = arith.constant 1024 : i32
        %add3A_110 = vector.broadcast %add3A_109 : i32 to vector<16xi32>
        %add3A_111 = arith.addi %add3A_98, %add3A_110 : vector<16xi32>
        %add3A_112 = arith.constant 4 : i32
        %add3A_113 = vector.broadcast %add3A_112 : i32 to vector<16xi32>
        %add3A_114 = arith.addi %iota3A, %add3A_113 : vector<16xi32>
        %ge3A_115 = arith.constant 21 : i32
        %ge3A_116 = vector.broadcast %ge3A_115 : i32 to vector<16xi32>
        %ge3A_117 = arith.cmpi sge, %add3A_114, %ge3A_116 : vector<16xi32>
        %sub3A_118 = arith.constant 21504 : i32
        %sub3A_119 = vector.broadcast %sub3A_118 : i32 to vector<16xi32>
        %sub3A_120 = arith.subi %add3A_111, %sub3A_119 : vector<16xi32>
        %select_n3A_121 = arith.select %ge3A_117, %sub3A_120, %add3A_111 : vector<16xi1>, vector<16xi32>
        %add3A_122 = arith.constant 1024 : i32
        %add3A_123 = vector.broadcast %add3A_122 : i32 to vector<16xi32>
        %add3A_124 = arith.addi %add3A_111, %add3A_123 : vector<16xi32>
        %add3A_125 = arith.constant 5 : i32
        %add3A_126 = vector.broadcast %add3A_125 : i32 to vector<16xi32>
        %add3A_127 = arith.addi %iota3A, %add3A_126 : vector<16xi32>
        %ge3A_128 = arith.constant 21 : i32
        %ge3A_129 = vector.broadcast %ge3A_128 : i32 to vector<16xi32>
        %ge3A_130 = arith.cmpi sge, %add3A_127, %ge3A_129 : vector<16xi32>
        %sub3A_131 = arith.constant 21504 : i32
        %sub3A_132 = vector.broadcast %sub3A_131 : i32 to vector<16xi32>
        %sub3A_133 = arith.subi %add3A_124, %sub3A_132 : vector<16xi32>
        %select_n3A_134 = arith.select %ge3A_130, %sub3A_133, %add3A_124 : vector<16xi1>, vector<16xi32>
        %add3A_135 = arith.constant 1024 : i32
        %add3A_136 = vector.broadcast %add3A_135 : i32 to vector<16xi32>
        %add3A_137 = arith.addi %add3A_124, %add3A_136 : vector<16xi32>
        %add3A_138 = arith.constant 6 : i32
        %add3A_139 = vector.broadcast %add3A_138 : i32 to vector<16xi32>
        %add3A_140 = arith.addi %iota3A, %add3A_139 : vector<16xi32>
        %ge3A_141 = arith.constant 21 : i32
        %ge3A_142 = vector.broadcast %ge3A_141 : i32 to vector<16xi32>
        %ge3A_143 = arith.cmpi sge, %add3A_140, %ge3A_142 : vector<16xi32>
        %sub3A_144 = arith.constant 21504 : i32
        %sub3A_145 = vector.broadcast %sub3A_144 : i32 to vector<16xi32>
        %sub3A_146 = arith.subi %add3A_137, %sub3A_145 : vector<16xi32>
        %select_n3A_147 = arith.select %ge3A_143, %sub3A_146, %add3A_137 : vector<16xi1>, vector<16xi32>
        %add3A_148 = arith.constant 1024 : i32
        %add3A_149 = vector.broadcast %add3A_148 : i32 to vector<16xi32>
        %add3A_150 = arith.addi %add3A_137, %add3A_149 : vector<16xi32>
        %add3A_151 = arith.constant 7 : i32
        %add3A_152 = vector.broadcast %add3A_151 : i32 to vector<16xi32>
        %add3A_153 = arith.addi %iota3A, %add3A_152 : vector<16xi32>
        %ge3A_154 = arith.constant 21 : i32
        %ge3A_155 = vector.broadcast %ge3A_154 : i32 to vector<16xi32>
        %ge3A_156 = arith.cmpi sge, %add3A_153, %ge3A_155 : vector<16xi32>
        %sub3A_157 = arith.constant 21504 : i32
        %sub3A_158 = vector.broadcast %sub3A_157 : i32 to vector<16xi32>
        %sub3A_159 = arith.subi %add3A_150, %sub3A_158 : vector<16xi32>
        %select_n3A_160 = arith.select %ge3A_156, %sub3A_159, %add3A_150 : vector<16xi1>, vector<16xi32>
        %add3A_161 = arith.constant 1024 : i32
        %add3A_162 = vector.broadcast %add3A_161 : i32 to vector<16xi32>
        %add3A_163 = arith.addi %add3A_150, %add3A_162 : vector<16xi32>
        %add3A_164 = arith.constant 8 : i32
        %add3A_165 = vector.broadcast %add3A_164 : i32 to vector<16xi32>
        %add3A_166 = arith.addi %iota3A, %add3A_165 : vector<16xi32>
        %ge3A_167 = arith.constant 21 : i32
        %ge3A_168 = vector.broadcast %ge3A_167 : i32 to vector<16xi32>
        %ge3A_169 = arith.cmpi sge, %add3A_166, %ge3A_168 : vector<16xi32>
        %sub3A_170 = arith.constant 21504 : i32
        %sub3A_171 = vector.broadcast %sub3A_170 : i32 to vector<16xi32>
        %sub3A_172 = arith.subi %add3A_163, %sub3A_171 : vector<16xi32>
        %select_n3A_173 = arith.select %ge3A_169, %sub3A_172, %add3A_163 : vector<16xi1>, vector<16xi32>
        %add3A_174 = arith.constant 1024 : i32
        %add3A_175 = vector.broadcast %add3A_174 : i32 to vector<16xi32>
        %add3A_176 = arith.addi %add3A_163, %add3A_175 : vector<16xi32>
        %add3A_177 = arith.constant 9 : i32
        %add3A_178 = vector.broadcast %add3A_177 : i32 to vector<16xi32>
        %add3A_179 = arith.addi %iota3A, %add3A_178 : vector<16xi32>
        %ge3A_180 = arith.constant 21 : i32
        %ge3A_181 = vector.broadcast %ge3A_180 : i32 to vector<16xi32>
        %ge3A_182 = arith.cmpi sge, %add3A_179, %ge3A_181 : vector<16xi32>
        %sub3A_183 = arith.constant 21504 : i32
        %sub3A_184 = vector.broadcast %sub3A_183 : i32 to vector<16xi32>
        %sub3A_185 = arith.subi %add3A_176, %sub3A_184 : vector<16xi32>
        %select_n3A_186 = arith.select %ge3A_182, %sub3A_185, %add3A_176 : vector<16xi1>, vector<16xi32>
        %add3A_187 = arith.constant 1024 : i32
        %add3A_188 = vector.broadcast %add3A_187 : i32 to vector<16xi32>
        %add3A_189 = arith.addi %add3A_176, %add3A_188 : vector<16xi32>
        %add3A_190 = arith.constant 10 : i32
        %add3A_191 = vector.broadcast %add3A_190 : i32 to vector<16xi32>
        %add3A_192 = arith.addi %iota3A, %add3A_191 : vector<16xi32>
        %ge3A_193 = arith.constant 21 : i32
        %ge3A_194 = vector.broadcast %ge3A_193 : i32 to vector<16xi32>
        %ge3A_195 = arith.cmpi sge, %add3A_192, %ge3A_194 : vector<16xi32>
        %sub3A_196 = arith.constant 21504 : i32
        %sub3A_197 = vector.broadcast %sub3A_196 : i32 to vector<16xi32>
        %sub3A_198 = arith.subi %add3A_189, %sub3A_197 : vector<16xi32>
        %select_n3A_199 = arith.select %ge3A_195, %sub3A_198, %add3A_189 : vector<16xi1>, vector<16xi32>
        %add3A_200 = arith.constant 1024 : i32
        %add3A_201 = vector.broadcast %add3A_200 : i32 to vector<16xi32>
        %add3A_202 = arith.addi %add3A_189, %add3A_201 : vector<16xi32>
        %add3A_203 = arith.constant 11 : i32
        %add3A_204 = vector.broadcast %add3A_203 : i32 to vector<16xi32>
        %add3A_205 = arith.addi %iota3A, %add3A_204 : vector<16xi32>
        %ge3A_206 = arith.constant 21 : i32
        %ge3A_207 = vector.broadcast %ge3A_206 : i32 to vector<16xi32>
        %ge3A_208 = arith.cmpi sge, %add3A_205, %ge3A_207 : vector<16xi32>
        %sub3A_209 = arith.constant 21504 : i32
        %sub3A_210 = vector.broadcast %sub3A_209 : i32 to vector<16xi32>
        %sub3A_211 = arith.subi %add3A_202, %sub3A_210 : vector<16xi32>
        %select_n3A_212 = arith.select %ge3A_208, %sub3A_211, %add3A_202 : vector<16xi1>, vector<16xi32>
        %add3A_213 = arith.constant 1024 : i32
        %add3A_214 = vector.broadcast %add3A_213 : i32 to vector<16xi32>
        %add3A_215 = arith.addi %add3A_202, %add3A_214 : vector<16xi32>
        %add3A_216 = arith.constant 12 : i32
        %add3A_217 = vector.broadcast %add3A_216 : i32 to vector<16xi32>
        %add3A_218 = arith.addi %iota3A, %add3A_217 : vector<16xi32>
        %ge3A_219 = arith.constant 21 : i32
        %ge3A_220 = vector.broadcast %ge3A_219 : i32 to vector<16xi32>
        %ge3A_221 = arith.cmpi sge, %add3A_218, %ge3A_220 : vector<16xi32>
        %sub3A_222 = arith.constant 21504 : i32
        %sub3A_223 = vector.broadcast %sub3A_222 : i32 to vector<16xi32>
        %sub3A_224 = arith.subi %add3A_215, %sub3A_223 : vector<16xi32>
        %select_n3A_225 = arith.select %ge3A_221, %sub3A_224, %add3A_215 : vector<16xi1>, vector<16xi32>
        %add3A_226 = arith.constant 1024 : i32
        %add3A_227 = vector.broadcast %add3A_226 : i32 to vector<16xi32>
        %add3A_228 = arith.addi %add3A_215, %add3A_227 : vector<16xi32>
        %add3A_229 = arith.constant 13 : i32
        %add3A_230 = vector.broadcast %add3A_229 : i32 to vector<16xi32>
        %add3A_231 = arith.addi %iota3A, %add3A_230 : vector<16xi32>
        %ge3A_232 = arith.constant 21 : i32
        %ge3A_233 = vector.broadcast %ge3A_232 : i32 to vector<16xi32>
        %ge3A_234 = arith.cmpi sge, %add3A_231, %ge3A_233 : vector<16xi32>
        %sub3A_235 = arith.constant 21504 : i32
        %sub3A_236 = vector.broadcast %sub3A_235 : i32 to vector<16xi32>
        %sub3A_237 = arith.subi %add3A_228, %sub3A_236 : vector<16xi32>
        %select_n3A_238 = arith.select %ge3A_234, %sub3A_237, %add3A_228 : vector<16xi1>, vector<16xi32>
        %add3A_239 = arith.constant 1024 : i32
        %add3A_240 = vector.broadcast %add3A_239 : i32 to vector<16xi32>
        %add3A_241 = arith.addi %add3A_228, %add3A_240 : vector<16xi32>
        %add3A_242 = arith.constant 14 : i32
        %add3A_243 = vector.broadcast %add3A_242 : i32 to vector<16xi32>
        %add3A_244 = arith.addi %iota3A, %add3A_243 : vector<16xi32>
        %ge3A_245 = arith.constant 21 : i32
        %ge3A_246 = vector.broadcast %ge3A_245 : i32 to vector<16xi32>
        %ge3A_247 = arith.cmpi sge, %add3A_244, %ge3A_246 : vector<16xi32>
        %sub3A_248 = arith.constant 21504 : i32
        %sub3A_249 = vector.broadcast %sub3A_248 : i32 to vector<16xi32>
        %sub3A_250 = arith.subi %add3A_241, %sub3A_249 : vector<16xi32>
        %select_n3A_251 = arith.select %ge3A_247, %sub3A_250, %add3A_241 : vector<16xi1>, vector<16xi32>
        %add3A_252 = arith.constant 1024 : i32
        %add3A_253 = vector.broadcast %add3A_252 : i32 to vector<16xi32>
        %add3A_254 = arith.addi %add3A_241, %add3A_253 : vector<16xi32>
        %add3A_255 = arith.constant 15 : i32
        %add3A_256 = vector.broadcast %add3A_255 : i32 to vector<16xi32>
        %add3A_257 = arith.addi %iota3A, %add3A_256 : vector<16xi32>
        %ge3A_258 = arith.constant 21 : i32
        %ge3A_259 = vector.broadcast %ge3A_258 : i32 to vector<16xi32>
        %ge3A_260 = arith.cmpi sge, %add3A_257, %ge3A_259 : vector<16xi32>
        %sub3A_261 = arith.constant 21504 : i32
        %sub3A_262 = vector.broadcast %sub3A_261 : i32 to vector<16xi32>
        %sub3A_263 = arith.subi %add3A_254, %sub3A_262 : vector<16xi32>
        %select_n3A_264 = arith.select %ge3A_260, %sub3A_263, %add3A_254 : vector<16xi1>, vector<16xi32>
        %add3A_265 = arith.constant 1024 : i32
        %add3A_266 = vector.broadcast %add3A_265 : i32 to vector<16xi32>
        %add3A_267 = arith.addi %add3A_254, %add3A_266 : vector<16xi32>
        %add3A_268 = arith.constant 16 : i32
        %add3A_269 = vector.broadcast %add3A_268 : i32 to vector<16xi32>
        %add3A_270 = arith.addi %iota3A, %add3A_269 : vector<16xi32>
        %ge3A_271 = arith.constant 21 : i32
        %ge3A_272 = vector.broadcast %ge3A_271 : i32 to vector<16xi32>
        %ge3A_273 = arith.cmpi sge, %add3A_270, %ge3A_272 : vector<16xi32>
        %sub3A_274 = arith.constant 21504 : i32
        %sub3A_275 = vector.broadcast %sub3A_274 : i32 to vector<16xi32>
        %sub3A_276 = arith.subi %add3A_267, %sub3A_275 : vector<16xi32>
        %select_n3A_277 = arith.select %ge3A_273, %sub3A_276, %add3A_267 : vector<16xi1>, vector<16xi32>
        %add3A_278 = arith.constant 1024 : i32
        %add3A_279 = vector.broadcast %add3A_278 : i32 to vector<16xi32>
        %add3A_280 = arith.addi %add3A_267, %add3A_279 : vector<16xi32>
        %add3A_281 = arith.constant 17 : i32
        %add3A_282 = vector.broadcast %add3A_281 : i32 to vector<16xi32>
        %add3A_283 = arith.addi %iota3A, %add3A_282 : vector<16xi32>
        %ge3A_284 = arith.constant 21 : i32
        %ge3A_285 = vector.broadcast %ge3A_284 : i32 to vector<16xi32>
        %ge3A_286 = arith.cmpi sge, %add3A_283, %ge3A_285 : vector<16xi32>
        %sub3A_287 = arith.constant 21504 : i32
        %sub3A_288 = vector.broadcast %sub3A_287 : i32 to vector<16xi32>
        %sub3A_289 = arith.subi %add3A_280, %sub3A_288 : vector<16xi32>
        %select_n3A_290 = arith.select %ge3A_286, %sub3A_289, %add3A_280 : vector<16xi1>, vector<16xi32>
        %add3A_291 = arith.constant 1024 : i32
        %add3A_292 = vector.broadcast %add3A_291 : i32 to vector<16xi32>
        %add3A_293 = arith.addi %add3A_280, %add3A_292 : vector<16xi32>
        %add3A_294 = arith.constant 18 : i32
        %add3A_295 = vector.broadcast %add3A_294 : i32 to vector<16xi32>
        %add3A_296 = arith.addi %iota3A, %add3A_295 : vector<16xi32>
        %ge3A_297 = arith.constant 21 : i32
        %ge3A_298 = vector.broadcast %ge3A_297 : i32 to vector<16xi32>
        %ge3A_299 = arith.cmpi sge, %add3A_296, %ge3A_298 : vector<16xi32>
        %sub3A_300 = arith.constant 21504 : i32
        %sub3A_301 = vector.broadcast %sub3A_300 : i32 to vector<16xi32>
        %sub3A_302 = arith.subi %add3A_293, %sub3A_301 : vector<16xi32>
        %select_n3A_303 = arith.select %ge3A_299, %sub3A_302, %add3A_293 : vector<16xi1>, vector<16xi32>
        %add3A_304 = arith.constant 1024 : i32
        %add3A_305 = vector.broadcast %add3A_304 : i32 to vector<16xi32>
        %add3A_306 = arith.addi %add3A_293, %add3A_305 : vector<16xi32>
        %add3A_307 = arith.constant 19 : i32
        %add3A_308 = vector.broadcast %add3A_307 : i32 to vector<16xi32>
        %add3A_309 = arith.addi %iota3A, %add3A_308 : vector<16xi32>
        %ge3A_310 = arith.constant 21 : i32
        %ge3A_311 = vector.broadcast %ge3A_310 : i32 to vector<16xi32>
        %ge3A_312 = arith.cmpi sge, %add3A_309, %ge3A_311 : vector<16xi32>
        %sub3A_313 = arith.constant 21504 : i32
        %sub3A_314 = vector.broadcast %sub3A_313 : i32 to vector<16xi32>
        %sub3A_315 = arith.subi %add3A_306, %sub3A_314 : vector<16xi32>
        %select_n3A_316 = arith.select %ge3A_312, %sub3A_315, %add3A_306 : vector<16xi1>, vector<16xi32>
        %add3A_317 = arith.constant 1024 : i32
        %add3A_318 = vector.broadcast %add3A_317 : i32 to vector<16xi32>
        %add3A_319 = arith.addi %add3A_306, %add3A_318 : vector<16xi32>
        %add3A_320 = arith.constant 20 : i32
        %add3A_321 = vector.broadcast %add3A_320 : i32 to vector<16xi32>
        %add3A_322 = arith.addi %iota3A, %add3A_321 : vector<16xi32>
        %ge3A_323 = arith.constant 21 : i32
        %ge3A_324 = vector.broadcast %ge3A_323 : i32 to vector<16xi32>
        %ge3A_325 = arith.cmpi sge, %add3A_322, %ge3A_324 : vector<16xi32>
        %sub3A_326 = arith.constant 21504 : i32
        %sub3A_327 = vector.broadcast %sub3A_326 : i32 to vector<16xi32>
        %sub3A_328 = arith.subi %add3A_319, %sub3A_327 : vector<16xi32>
        %select_n3A_329 = arith.select %ge3A_325, %sub3A_328, %add3A_319 : vector<16xi1>, vector<16xi32>
        %gather3A = tpu.vector_load_idx %arg5[%add3A_72] : memref<21504xi32, #tpu.memory_space<vmem>>[vector<16xi32>], vector<16xi32>,
        %gather3A_330 = tpu.vector_load_idx %arg5[%select_n3A] : memref<21504xi32, #tpu.memory_space<vmem>>[vector<16xi32>], vector<16xi32>,
        %gather3A_331 = tpu.vector_load_idx %arg5[%select_n3A_95] : memref<21504xi32, #tpu.memory_space<vmem>>[vector<16xi32>], vector<16xi32>,
        %gather3A_332 = tpu.vector_load_idx %arg5[%select_n3A_108] : memref<21504xi32, #tpu.memory_space<vmem>>[vector<16xi32>], vector<16xi32>,
        %gather3A_333 = tpu.vector_load_idx %arg5[%select_n3A_121] : memref<21504xi32, #tpu.memory_space<vmem>>[vector<16xi32>], vector<16xi32>,
        %gather3A_334 = tpu.vector_load_idx %arg5[%select_n3A_134] : memref<21504xi32, #tpu.memory_space<vmem>>[vector<16xi32>], vector<16xi32>,
        %gather3A_335 = tpu.vector_load_idx %arg5[%select_n3A_147] : memref<21504xi32, #tpu.memory_space<vmem>>[vector<16xi32>], vector<16xi32>,
        %gather3A_336 = tpu.vector_load_idx %arg5[%select_n3A_160] : memref<21504xi32, #tpu.memory_space<vmem>>[vector<16xi32>], vector<16xi32>,
        %gather3A_337 = tpu.vector_load_idx %arg5[%select_n3A_173] : memref<21504xi32, #tpu.memory_space<vmem>>[vector<16xi32>], vector<16xi32>,
        %gather3A_338 = tpu.vector_load_idx %arg5[%select_n3A_186] : memref<21504xi32, #tpu.memory_space<vmem>>[vector<16xi32>], vector<16xi32>,
        %gather3A_339 = tpu.vector_load_idx %arg5[%select_n3A_199] : memref<21504xi32, #tpu.memory_space<vmem>>[vector<16xi32>], vector<16xi32>,
        %gather3A_340 = tpu.vector_load_idx %arg5[%select_n3A_212] : memref<21504xi32, #tpu.memory_space<vmem>>[vector<16xi32>], vector<16xi32>,
        %gather3A_341 = tpu.vector_load_idx %arg5[%select_n3A_225] : memref<21504xi32, #tpu.memory_space<vmem>>[vector<16xi32>], vector<16xi32>,
        %gather3A_342 = tpu.vector_load_idx %arg5[%select_n3A_238] : memref<21504xi32, #tpu.memory_space<vmem>>[vector<16xi32>], vector<16xi32>,
        %gather3A_343 = tpu.vector_load_idx %arg5[%select_n3A_251] : memref<21504xi32, #tpu.memory_space<vmem>>[vector<16xi32>], vector<16xi32>,
        %gather3A_344 = tpu.vector_load_idx %arg5[%select_n3A_264] : memref<21504xi32, #tpu.memory_space<vmem>>[vector<16xi32>], vector<16xi32>,
        %gather3A_345 = tpu.vector_load_idx %arg5[%select_n3A_277] : memref<21504xi32, #tpu.memory_space<vmem>>[vector<16xi32>], vector<16xi32>,
        %gather3A_346 = tpu.vector_load_idx %arg5[%select_n3A_290] : memref<21504xi32, #tpu.memory_space<vmem>>[vector<16xi32>], vector<16xi32>,
        %gather3A_347 = tpu.vector_load_idx %arg5[%select_n3A_303] : memref<21504xi32, #tpu.memory_space<vmem>>[vector<16xi32>], vector<16xi32>,
        %gather3A_348 = tpu.vector_load_idx %arg5[%select_n3A_316] : memref<21504xi32, #tpu.memory_space<vmem>>[vector<16xi32>], vector<16xi32>,
        %gather3A_349 = tpu.vector_load_idx %arg5[%select_n3A_329] : memref<21504xi32, #tpu.memory_space<vmem>>[vector<16xi32>], vector<16xi32>,
        %and3A = arith.constant 65535 : i32
        %and3A_350 = vector.broadcast %and3A : i32 to vector<16xi32>
        %and3A_351 = arith.andi %gather3A, %and3A_350 : vector<16xi32>
        tpu.vector_store_idx %arg6[%and3A_351], %broadcast_in_dim3A_8 {add = true} : memref<43008xi32, #tpu.memory_space<vmem>>[vector<16xi32>], vector<16xi32>,
        %shift_right_logical3A = arith.constant 16 : i32
        %shift_right_logical3A_352 = vector.broadcast %shift_right_logical3A : i32 to vector<16xi32>
        %shift_right_logical3A_353 = arith.shrui %gather3A, %shift_right_logical3A_352 : vector<16xi32>
        tpu.vector_store_idx %arg6[%shift_right_logical3A_353], %broadcast_in_dim3A_8 {add = true} : memref<43008xi32, #tpu.memory_space<vmem>>[vector<16xi32>], vector<16xi32>,
        %and3A_354 = arith.constant 65535 : i32
        %and3A_355 = vector.broadcast %and3A_354 : i32 to vector<16xi32>
        %and3A_356 = arith.andi %gather3A_330, %and3A_355 : vector<16xi32>
        tpu.vector_store_idx %arg6[%and3A_356], %broadcast_in_dim3A_8 {add = true} : memref<43008xi32, #tpu.memory_space<vmem>>[vector<16xi32>], vector<16xi32>,
        %shift_right_logical3A_357 = arith.constant 16 : i32
        %shift_right_logical3A_358 = vector.broadcast %shift_right_logical3A_357 : i32 to vector<16xi32>
        %shift_right_logical3A_359 = arith.shrui %gather3A_330, %shift_right_logical3A_358 : vector<16xi32>
        tpu.vector_store_idx %arg6[%shift_right_logical3A_359], %broadcast_in_dim3A_8 {add = true} : memref<43008xi32, #tpu.memory_space<vmem>>[vector<16xi32>], vector<16xi32>,
        %and3A_360 = arith.constant 65535 : i32
        %and3A_361 = vector.broadcast %and3A_360 : i32 to vector<16xi32>
        %and3A_362 = arith.andi %gather3A_331, %and3A_361 : vector<16xi32>
        tpu.vector_store_idx %arg6[%and3A_362], %broadcast_in_dim3A_8 {add = true} : memref<43008xi32, #tpu.memory_space<vmem>>[vector<16xi32>], vector<16xi32>,
        %shift_right_logical3A_363 = arith.constant 16 : i32
        %shift_right_logical3A_364 = vector.broadcast %shift_right_logical3A_363 : i32 to vector<16xi32>
        %shift_right_logical3A_365 = arith.shrui %gather3A_331, %shift_right_logical3A_364 : vector<16xi32>
        tpu.vector_store_idx %arg6[%shift_right_logical3A_365], %broadcast_in_dim3A_8 {add = true} : memref<43008xi32, #tpu.memory_space<vmem>>[vector<16xi32>], vector<16xi32>,
        %and3A_366 = arith.constant 65535 : i32
        %and3A_367 = vector.broadcast %and3A_366 : i32 to vector<16xi32>
        %and3A_368 = arith.andi %gather3A_332, %and3A_367 : vector<16xi32>
        tpu.vector_store_idx %arg6[%and3A_368], %broadcast_in_dim3A_8 {add = true} : memref<43008xi32, #tpu.memory_space<vmem>>[vector<16xi32>], vector<16xi32>,
        %shift_right_logical3A_369 = arith.constant 16 : i32
        %shift_right_logical3A_370 = vector.broadcast %shift_right_logical3A_369 : i32 to vector<16xi32>
        %shift_right_logical3A_371 = arith.shrui %gather3A_332, %shift_right_logical3A_370 : vector<16xi32>
        tpu.vector_store_idx %arg6[%shift_right_logical3A_371], %broadcast_in_dim3A_8 {add = true} : memref<43008xi32, #tpu.memory_space<vmem>>[vector<16xi32>], vector<16xi32>,
        %and3A_372 = arith.constant 65535 : i32
        %and3A_373 = vector.broadcast %and3A_372 : i32 to vector<16xi32>
        %and3A_374 = arith.andi %gather3A_333, %and3A_373 : vector<16xi32>
        tpu.vector_store_idx %arg6[%and3A_374], %broadcast_in_dim3A_8 {add = true} : memref<43008xi32, #tpu.memory_space<vmem>>[vector<16xi32>], vector<16xi32>,
        %shift_right_logical3A_375 = arith.constant 16 : i32
        %shift_right_logical3A_376 = vector.broadcast %shift_right_logical3A_375 : i32 to vector<16xi32>
        %shift_right_logical3A_377 = arith.shrui %gather3A_333, %shift_right_logical3A_376 : vector<16xi32>
        tpu.vector_store_idx %arg6[%shift_right_logical3A_377], %broadcast_in_dim3A_8 {add = true} : memref<43008xi32, #tpu.memory_space<vmem>>[vector<16xi32>], vector<16xi32>,
        %and3A_378 = arith.constant 65535 : i32
        %and3A_379 = vector.broadcast %and3A_378 : i32 to vector<16xi32>
        %and3A_380 = arith.andi %gather3A_334, %and3A_379 : vector<16xi32>
        tpu.vector_store_idx %arg6[%and3A_380], %broadcast_in_dim3A_8 {add = true} : memref<43008xi32, #tpu.memory_space<vmem>>[vector<16xi32>], vector<16xi32>,
        %shift_right_logical3A_381 = arith.constant 16 : i32
        %shift_right_logical3A_382 = vector.broadcast %shift_right_logical3A_381 : i32 to vector<16xi32>
        %shift_right_logical3A_383 = arith.shrui %gather3A_334, %shift_right_logical3A_382 : vector<16xi32>
        tpu.vector_store_idx %arg6[%shift_right_logical3A_383], %broadcast_in_dim3A_8 {add = true} : memref<43008xi32, #tpu.memory_space<vmem>>[vector<16xi32>], vector<16xi32>,
        %and3A_384 = arith.constant 65535 : i32
        %and3A_385 = vector.broadcast %and3A_384 : i32 to vector<16xi32>
        %and3A_386 = arith.andi %gather3A_335, %and3A_385 : vector<16xi32>
        tpu.vector_store_idx %arg6[%and3A_386], %broadcast_in_dim3A_8 {add = true} : memref<43008xi32, #tpu.memory_space<vmem>>[vector<16xi32>], vector<16xi32>,
        %shift_right_logical3A_387 = arith.constant 16 : i32
        %shift_right_logical3A_388 = vector.broadcast %shift_right_logical3A_387 : i32 to vector<16xi32>
        %shift_right_logical3A_389 = arith.shrui %gather3A_335, %shift_right_logical3A_388 : vector<16xi32>
        tpu.vector_store_idx %arg6[%shift_right_logical3A_389], %broadcast_in_dim3A_8 {add = true} : memref<43008xi32, #tpu.memory_space<vmem>>[vector<16xi32>], vector<16xi32>,
        %and3A_390 = arith.constant 65535 : i32
        %and3A_391 = vector.broadcast %and3A_390 : i32 to vector<16xi32>
        %and3A_392 = arith.andi %gather3A_336, %and3A_391 : vector<16xi32>
        tpu.vector_store_idx %arg6[%and3A_392], %broadcast_in_dim3A_8 {add = true} : memref<43008xi32, #tpu.memory_space<vmem>>[vector<16xi32>], vector<16xi32>,
        %shift_right_logical3A_393 = arith.constant 16 : i32
        %shift_right_logical3A_394 = vector.broadcast %shift_right_logical3A_393 : i32 to vector<16xi32>
        %shift_right_logical3A_395 = arith.shrui %gather3A_336, %shift_right_logical3A_394 : vector<16xi32>
        tpu.vector_store_idx %arg6[%shift_right_logical3A_395], %broadcast_in_dim3A_8 {add = true} : memref<43008xi32, #tpu.memory_space<vmem>>[vector<16xi32>], vector<16xi32>,
        %and3A_396 = arith.constant 65535 : i32
        %and3A_397 = vector.broadcast %and3A_396 : i32 to vector<16xi32>
        %and3A_398 = arith.andi %gather3A_337, %and3A_397 : vector<16xi32>
        tpu.vector_store_idx %arg6[%and3A_398], %broadcast_in_dim3A_8 {add = true} : memref<43008xi32, #tpu.memory_space<vmem>>[vector<16xi32>], vector<16xi32>,
        %shift_right_logical3A_399 = arith.constant 16 : i32
        %shift_right_logical3A_400 = vector.broadcast %shift_right_logical3A_399 : i32 to vector<16xi32>
        %shift_right_logical3A_401 = arith.shrui %gather3A_337, %shift_right_logical3A_400 : vector<16xi32>
        tpu.vector_store_idx %arg6[%shift_right_logical3A_401], %broadcast_in_dim3A_8 {add = true} : memref<43008xi32, #tpu.memory_space<vmem>>[vector<16xi32>], vector<16xi32>,
        %and3A_402 = arith.constant 65535 : i32
        %and3A_403 = vector.broadcast %and3A_402 : i32 to vector<16xi32>
        %and3A_404 = arith.andi %gather3A_338, %and3A_403 : vector<16xi32>
        tpu.vector_store_idx %arg6[%and3A_404], %broadcast_in_dim3A_8 {add = true} : memref<43008xi32, #tpu.memory_space<vmem>>[vector<16xi32>], vector<16xi32>,
        %shift_right_logical3A_405 = arith.constant 16 : i32
        %shift_right_logical3A_406 = vector.broadcast %shift_right_logical3A_405 : i32 to vector<16xi32>
        %shift_right_logical3A_407 = arith.shrui %gather3A_338, %shift_right_logical3A_406 : vector<16xi32>
        tpu.vector_store_idx %arg6[%shift_right_logical3A_407], %broadcast_in_dim3A_8 {add = true} : memref<43008xi32, #tpu.memory_space<vmem>>[vector<16xi32>], vector<16xi32>,
        %and3A_408 = arith.constant 65535 : i32
        %and3A_409 = vector.broadcast %and3A_408 : i32 to vector<16xi32>
        %and3A_410 = arith.andi %gather3A_339, %and3A_409 : vector<16xi32>
        tpu.vector_store_idx %arg6[%and3A_410], %broadcast_in_dim3A_8 {add = true} : memref<43008xi32, #tpu.memory_space<vmem>>[vector<16xi32>], vector<16xi32>,
        %shift_right_logical3A_411 = arith.constant 16 : i32
        %shift_right_logical3A_412 = vector.broadcast %shift_right_logical3A_411 : i32 to vector<16xi32>
        %shift_right_logical3A_413 = arith.shrui %gather3A_339, %shift_right_logical3A_412 : vector<16xi32>
        tpu.vector_store_idx %arg6[%shift_right_logical3A_413], %broadcast_in_dim3A_8 {add = true} : memref<43008xi32, #tpu.memory_space<vmem>>[vector<16xi32>], vector<16xi32>,
        %and3A_414 = arith.constant 65535 : i32
        %and3A_415 = vector.broadcast %and3A_414 : i32 to vector<16xi32>
        %and3A_416 = arith.andi %gather3A_340, %and3A_415 : vector<16xi32>
        tpu.vector_store_idx %arg6[%and3A_416], %broadcast_in_dim3A_8 {add = true} : memref<43008xi32, #tpu.memory_space<vmem>>[vector<16xi32>], vector<16xi32>,
        %shift_right_logical3A_417 = arith.constant 16 : i32
        %shift_right_logical3A_418 = vector.broadcast %shift_right_logical3A_417 : i32 to vector<16xi32>
        %shift_right_logical3A_419 = arith.shrui %gather3A_340, %shift_right_logical3A_418 : vector<16xi32>
        tpu.vector_store_idx %arg6[%shift_right_logical3A_419], %broadcast_in_dim3A_8 {add = true} : memref<43008xi32, #tpu.memory_space<vmem>>[vector<16xi32>], vector<16xi32>,
        %and3A_420 = arith.constant 65535 : i32
        %and3A_421 = vector.broadcast %and3A_420 : i32 to vector<16xi32>
        %and3A_422 = arith.andi %gather3A_341, %and3A_421 : vector<16xi32>
        tpu.vector_store_idx %arg6[%and3A_422], %broadcast_in_dim3A_8 {add = true} : memref<43008xi32, #tpu.memory_space<vmem>>[vector<16xi32>], vector<16xi32>,
        %shift_right_logical3A_423 = arith.constant 16 : i32
        %shift_right_logical3A_424 = vector.broadcast %shift_right_logical3A_423 : i32 to vector<16xi32>
        %shift_right_logical3A_425 = arith.shrui %gather3A_341, %shift_right_logical3A_424 : vector<16xi32>
        tpu.vector_store_idx %arg6[%shift_right_logical3A_425], %broadcast_in_dim3A_8 {add = true} : memref<43008xi32, #tpu.memory_space<vmem>>[vector<16xi32>], vector<16xi32>,
        %and3A_426 = arith.constant 65535 : i32
        %and3A_427 = vector.broadcast %and3A_426 : i32 to vector<16xi32>
        %and3A_428 = arith.andi %gather3A_342, %and3A_427 : vector<16xi32>
        tpu.vector_store_idx %arg6[%and3A_428], %broadcast_in_dim3A_8 {add = true} : memref<43008xi32, #tpu.memory_space<vmem>>[vector<16xi32>], vector<16xi32>,
        %shift_right_logical3A_429 = arith.constant 16 : i32
        %shift_right_logical3A_430 = vector.broadcast %shift_right_logical3A_429 : i32 to vector<16xi32>
        %shift_right_logical3A_431 = arith.shrui %gather3A_342, %shift_right_logical3A_430 : vector<16xi32>
        tpu.vector_store_idx %arg6[%shift_right_logical3A_431], %broadcast_in_dim3A_8 {add = true} : memref<43008xi32, #tpu.memory_space<vmem>>[vector<16xi32>], vector<16xi32>,
        %and3A_432 = arith.constant 65535 : i32
        %and3A_433 = vector.broadcast %and3A_432 : i32 to vector<16xi32>
        %and3A_434 = arith.andi %gather3A_343, %and3A_433 : vector<16xi32>
        tpu.vector_store_idx %arg6[%and3A_434], %broadcast_in_dim3A_8 {add = true} : memref<43008xi32, #tpu.memory_space<vmem>>[vector<16xi32>], vector<16xi32>,
        %shift_right_logical3A_435 = arith.constant 16 : i32
        %shift_right_logical3A_436 = vector.broadcast %shift_right_logical3A_435 : i32 to vector<16xi32>
        %shift_right_logical3A_437 = arith.shrui %gather3A_343, %shift_right_logical3A_436 : vector<16xi32>
        tpu.vector_store_idx %arg6[%shift_right_logical3A_437], %broadcast_in_dim3A_8 {add = true} : memref<43008xi32, #tpu.memory_space<vmem>>[vector<16xi32>], vector<16xi32>,
        %and3A_438 = arith.constant 65535 : i32
        %and3A_439 = vector.broadcast %and3A_438 : i32 to vector<16xi32>
        %and3A_440 = arith.andi %gather3A_344, %and3A_439 : vector<16xi32>
        tpu.vector_store_idx %arg6[%and3A_440], %broadcast_in_dim3A_8 {add = true} : memref<43008xi32, #tpu.memory_space<vmem>>[vector<16xi32>], vector<16xi32>,
        %shift_right_logical3A_441 = arith.constant 16 : i32
        %shift_right_logical3A_442 = vector.broadcast %shift_right_logical3A_441 : i32 to vector<16xi32>
        %shift_right_logical3A_443 = arith.shrui %gather3A_344, %shift_right_logical3A_442 : vector<16xi32>
        tpu.vector_store_idx %arg6[%shift_right_logical3A_443], %broadcast_in_dim3A_8 {add = true} : memref<43008xi32, #tpu.memory_space<vmem>>[vector<16xi32>], vector<16xi32>,
        %and3A_444 = arith.constant 65535 : i32
        %and3A_445 = vector.broadcast %and3A_444 : i32 to vector<16xi32>
        %and3A_446 = arith.andi %gather3A_345, %and3A_445 : vector<16xi32>
        tpu.vector_store_idx %arg6[%and3A_446], %broadcast_in_dim3A_8 {add = true} : memref<43008xi32, #tpu.memory_space<vmem>>[vector<16xi32>], vector<16xi32>,
        %shift_right_logical3A_447 = arith.constant 16 : i32
        %shift_right_logical3A_448 = vector.broadcast %shift_right_logical3A_447 : i32 to vector<16xi32>
        %shift_right_logical3A_449 = arith.shrui %gather3A_345, %shift_right_logical3A_448 : vector<16xi32>
        tpu.vector_store_idx %arg6[%shift_right_logical3A_449], %broadcast_in_dim3A_8 {add = true} : memref<43008xi32, #tpu.memory_space<vmem>>[vector<16xi32>], vector<16xi32>,
        %and3A_450 = arith.constant 65535 : i32
        %and3A_451 = vector.broadcast %and3A_450 : i32 to vector<16xi32>
        %and3A_452 = arith.andi %gather3A_346, %and3A_451 : vector<16xi32>
        tpu.vector_store_idx %arg6[%and3A_452], %broadcast_in_dim3A_8 {add = true} : memref<43008xi32, #tpu.memory_space<vmem>>[vector<16xi32>], vector<16xi32>,
        %shift_right_logical3A_453 = arith.constant 16 : i32
        %shift_right_logical3A_454 = vector.broadcast %shift_right_logical3A_453 : i32 to vector<16xi32>
        %shift_right_logical3A_455 = arith.shrui %gather3A_346, %shift_right_logical3A_454 : vector<16xi32>
        tpu.vector_store_idx %arg6[%shift_right_logical3A_455], %broadcast_in_dim3A_8 {add = true} : memref<43008xi32, #tpu.memory_space<vmem>>[vector<16xi32>], vector<16xi32>,
        %and3A_456 = arith.constant 65535 : i32
        %and3A_457 = vector.broadcast %and3A_456 : i32 to vector<16xi32>
        %and3A_458 = arith.andi %gather3A_347, %and3A_457 : vector<16xi32>
        tpu.vector_store_idx %arg6[%and3A_458], %broadcast_in_dim3A_8 {add = true} : memref<43008xi32, #tpu.memory_space<vmem>>[vector<16xi32>], vector<16xi32>,
        %shift_right_logical3A_459 = arith.constant 16 : i32
        %shift_right_logical3A_460 = vector.broadcast %shift_right_logical3A_459 : i32 to vector<16xi32>
        %shift_right_logical3A_461 = arith.shrui %gather3A_347, %shift_right_logical3A_460 : vector<16xi32>
        tpu.vector_store_idx %arg6[%shift_right_logical3A_461], %broadcast_in_dim3A_8 {add = true} : memref<43008xi32, #tpu.memory_space<vmem>>[vector<16xi32>], vector<16xi32>,
        %and3A_462 = arith.constant 65535 : i32
        %and3A_463 = vector.broadcast %and3A_462 : i32 to vector<16xi32>
        %and3A_464 = arith.andi %gather3A_348, %and3A_463 : vector<16xi32>
        tpu.vector_store_idx %arg6[%and3A_464], %broadcast_in_dim3A_8 {add = true} : memref<43008xi32, #tpu.memory_space<vmem>>[vector<16xi32>], vector<16xi32>,
        %shift_right_logical3A_465 = arith.constant 16 : i32
        %shift_right_logical3A_466 = vector.broadcast %shift_right_logical3A_465 : i32 to vector<16xi32>
        %shift_right_logical3A_467 = arith.shrui %gather3A_348, %shift_right_logical3A_466 : vector<16xi32>
        tpu.vector_store_idx %arg6[%shift_right_logical3A_467], %broadcast_in_dim3A_8 {add = true} : memref<43008xi32, #tpu.memory_space<vmem>>[vector<16xi32>], vector<16xi32>,
        %and3A_468 = arith.constant 65535 : i32
        %and3A_469 = vector.broadcast %and3A_468 : i32 to vector<16xi32>
        %and3A_470 = arith.andi %gather3A_349, %and3A_469 : vector<16xi32>
        tpu.vector_store_idx %arg6[%and3A_470], %broadcast_in_dim3A_8 {add = true} : memref<43008xi32, #tpu.memory_space<vmem>>[vector<16xi32>], vector<16xi32>,
        %shift_right_logical3A_471 = arith.constant 16 : i32
        %shift_right_logical3A_472 = vector.broadcast %shift_right_logical3A_471 : i32 to vector<16xi32>
        %shift_right_logical3A_473 = arith.shrui %gather3A_349, %shift_right_logical3A_472 : vector<16xi32>
        tpu.vector_store_idx %arg6[%shift_right_logical3A_473], %broadcast_in_dim3A_8 {add = true} : memref<43008xi32, #tpu.memory_space<vmem>>[vector<16xi32>], vector<16xi32>,
      }
      %scan3A_67 = arith.constant 64 : i32
    }
    %scan3A_24 = arith.constant 8 : i32
    %dma_wait3A = tpu.memref_slice %arg2[%mul3A_15] : memref<11010048xi32, #tpu.memory_space<hbm>> -> memref<21504xi32, #tpu.memory_space<hbm>>
    %dma_wait3A_25 = tpu.memref_slice %arg2[%mul3A_15] : memref<11010048xi32, #tpu.memory_space<hbm>> -> memref<21504xi32, #tpu.memory_space<hbm>>
    tpu.wait_dma2 semaphore(%arg7 : memref<!tpu.dma_semaphore, #tpu.memory_space<semaphore_mem>>) src(%dma_wait3A_25 : memref<21504xi32, #tpu.memory_space<hbm>>) dst(%arg4 : memref<21504xi32, #tpu.memory_space<vmem>>)
    "tpu.region"() ({
      %run_scoped3A = tpu.sem_alloc : memref<!tpu.dma_semaphore, #tpu.memory_space<semaphore_mem>>
      %dma_start3A_26 = arith.constant 0 : i32
      %dma_start3A_27 = tpu.memref_slice %arg3[%add3A, %dma_start3A_26] : memref<32x43008xi32, #tpu.memory_space<hbm>> -> memref<1x43008xi32, #tpu.memory_space<hbm>>
      %dma_start3A_28 = tpu.memref_squeeze %dma_start3A_27 : memref<1x43008xi32, #tpu.memory_space<hbm>> -> memref<43008xi32, #tpu.memory_space<hbm>>
      %dma_start3A_29 = arith.constant 0 : i32
      %dma_start3A_30 = tpu.memref_slice %arg3[%add3A, %dma_start3A_29] : memref<32x43008xi32, #tpu.memory_space<hbm>> -> memref<1x43008xi32, #tpu.memory_space<hbm>>
      %dma_start3A_31 = tpu.memref_squeeze %dma_start3A_30 : memref<1x43008xi32, #tpu.memory_space<hbm>> -> memref<43008xi32, #tpu.memory_space<hbm>>
      tpu.enqueue_dma source(%arg6 : memref<43008xi32, #tpu.memory_space<vmem>>) target(%dma_start3A_31 : memref<43008xi32, #tpu.memory_space<hbm>>) target_semaphore(%run_scoped3A : memref<!tpu.dma_semaphore, #tpu.memory_space<semaphore_mem>>)
      %dma_wait3A_32 = arith.constant 0 : i32
      %dma_wait3A_33 = tpu.memref_slice %arg3[%add3A, %dma_wait3A_32] : memref<32x43008xi32, #tpu.memory_space<hbm>> -> memref<1x43008xi32, #tpu.memory_space<hbm>>
      %dma_wait3A_34 = tpu.memref_squeeze %dma_wait3A_33 : memref<1x43008xi32, #tpu.memory_space<hbm>> -> memref<43008xi32, #tpu.memory_space<hbm>>
      %dma_wait3A_35 = arith.constant 0 : i32
      %dma_wait3A_36 = tpu.memref_slice %arg3[%add3A, %dma_wait3A_35] : memref<32x43008xi32, #tpu.memory_space<hbm>> -> memref<1x43008xi32, #tpu.memory_space<hbm>>
      %dma_wait3A_37 = tpu.memref_squeeze %dma_wait3A_36 : memref<1x43008xi32, #tpu.memory_space<hbm>> -> memref<43008xi32, #tpu.memory_space<hbm>>
      tpu.wait_dma2 semaphore(%run_scoped3A : memref<!tpu.dma_semaphore, #tpu.memory_space<semaphore_mem>>) src(%arg6 : memref<43008xi32, #tpu.memory_space<vmem>>) dst(%dma_wait3A_37 : memref<43008xi32, #tpu.memory_space<hbm>>)
      tpu.yield
    }) : () -> ()
    return
  }
}

module attributes {stable_mosaic.version = 14 : i64} {
  func.func @_final_kernel(%arg0: memref<32x21x2048xi32, #tpu.memory_space<vmem>>, %arg1: memref<1x1xf32, #tpu.memory_space<vmem>>) attributes {dimension_semantics = [], scalar_prefetch = 0 : i64, scratch_operands = 0 : i64, tpu.core_type = #tpu.core_type<tc>} {
    %get3A = arith.constant 0 : index
    %get3A_0 = arith.constant 0 : index
    %get3A_1 = arith.constant 0 : index
    %get3A_2 = vector.load %arg0[%get3A, %get3A_0, %get3A_1] : memref<32x21x2048xi32, #tpu.memory_space<vmem>>, vector<32x21x2048xi32>
    %convert_element_type3A = arith.sitofp %get3A_2 : vector<32x21x2048xi32> to vector<32x21x2048xf32>
    %reduce_sum3A = arith.constant dense<0.000000e+00> : vector<21x2048xf32>
    %reduce_sum3A_3 = vector.multi_reduction <add>, %convert_element_type3A, %reduce_sum3A [0] : vector<32x21x2048xf32> to vector<21x2048xf32>
    %slice3A = vector.extract_strided_slice %reduce_sum3A_3 {offsets = [0, 1024], sizes = [21, 1024], strides = [1, 1]} : vector<21x2048xf32> to vector<21x1024xf32>
    %slice3A_4 = vector.extract_strided_slice %reduce_sum3A_3 {offsets = [0, 0], sizes = [21, 1024], strides = [1, 1]} : vector<21x2048xf32> to vector<21x1024xf32>
    %add3A = arith.addf %slice3A_4, %slice3A : vector<21x1024xf32>
    %concatenate3A = tpu.concatenate %add3A, %slice3A in 0 : vector<21x1024xf32>, vector<21x1024xf32> -> vector<42x1024xf32>
    %iota3A = tpu.iota {dimensions = array<i32: 0>} : vector<1024x1024xi32>
    %iota3A_5 = tpu.iota {dimensions = array<i32: 1>} : vector<1024x1024xi32>
    %ge3A = arith.cmpi sge, %iota3A, %iota3A_5 : vector<1024x1024xi32>
    %convert_element_type3A_6 = arith.extui %ge3A : vector<1024x1024xi1> to vector<1024x1024xi32>
    %convert_element_type3A_7 = arith.sitofp %convert_element_type3A_6 : vector<1024x1024xi32> to vector<1024x1024xf32>
    %dot_general3A = arith.constant dense<0.000000e+00> : vector<42x1024xf32>
    %dot_general3A_8 = tpu.matmul %concatenate3A, %convert_element_type3A_7, %dot_general3A {dimension_numbers = #tpu.dot_dimension_numbers<[1], [0], [0], [1], [0, 0, 1, 1], [], []>, transpose_lhs_hint = false} : vector<42x1024xf32>, vector<1024x1024xf32>, vector<42x1024xf32> -> vector<42x1024xf32>
    %slice3A_9 = vector.extract_strided_slice %dot_general3A_8 {offsets = [0, 0], sizes = [21, 1024], strides = [1, 1]} : vector<42x1024xf32> to vector<21x1024xf32>
    %slice3A_10 = vector.extract_strided_slice %dot_general3A_8 {offsets = [21, 0], sizes = [21, 1024], strides = [1, 1]} : vector<42x1024xf32> to vector<21x1024xf32>
    %slice3A_11 = vector.extract_strided_slice %slice3A_10 {offsets = [0, 0], sizes = [21, 1], strides = [1, 1]} : vector<21x1024xf32> to vector<21x1xf32>
    %sub3A = vector.broadcast %slice3A_11 : vector<21x1xf32> to vector<21x1024xf32>
    %sub3A_12 = arith.subf %sub3A, %slice3A_10 : vector<21x1024xf32>
    %add3A_13 = vector.broadcast %slice3A_11 : vector<21x1xf32> to vector<21x1024xf32>
    %add3A_14 = arith.addf %add3A_13, %slice3A_9 : vector<21x1024xf32>
    %sub3A_15 = arith.subf %add3A_14, %slice3A_10 : vector<21x1024xf32>
    %max3A = arith.constant 1.000000e+00 : f32
    %max3A_16 = vector.broadcast %max3A : f32 to vector<21x1024xf32>
    %max3A_17 = arith.maximumf %sub3A_15, %max3A_16 : vector<21x1024xf32>
    %div3A = arith.divf %sub3A_12, %max3A_17 : vector<21x1024xf32>
    %sub3A_18 = arith.constant 1.000000e+00 : f32
    %sub3A_19 = vector.broadcast %sub3A_18 : f32 to vector<21x1024xf32>
    %sub3A_20 = arith.subf %sub3A_19, %div3A : vector<21x1024xf32>
    %sub3A_21 = arith.subf %slice3A_9, %add3A : vector<21x1024xf32>
    %sub3A_22 = arith.subf %slice3A_10, %slice3A : vector<21x1024xf32>
    %sub3A_23 = vector.broadcast %slice3A_11 : vector<21x1xf32> to vector<21x1024xf32>
    %sub3A_24 = arith.subf %sub3A_23, %sub3A_22 : vector<21x1024xf32>
    %add3A_25 = vector.broadcast %slice3A_11 : vector<21x1xf32> to vector<21x1024xf32>
    %add3A_26 = arith.addf %add3A_25, %sub3A_21 : vector<21x1024xf32>
    %sub3A_27 = arith.subf %add3A_26, %sub3A_22 : vector<21x1024xf32>
    %max3A_28 = arith.constant 1.000000e+00 : f32
    %max3A_29 = vector.broadcast %max3A_28 : f32 to vector<21x1024xf32>
    %max3A_30 = arith.maximumf %sub3A_27, %max3A_29 : vector<21x1024xf32>
    %div3A_31 = arith.divf %sub3A_24, %max3A_30 : vector<21x1024xf32>
    %sub3A_32 = arith.constant 1.000000e+00 : f32
    %sub3A_33 = vector.broadcast %sub3A_32 : f32 to vector<21x1024xf32>
    %sub3A_34 = arith.subf %sub3A_33, %div3A_31 : vector<21x1024xf32>
    %iota3A_35 = tpu.iota {dimensions = array<i32: 1>} : vector<1x1024xi32>
    %convert_element_type3A_36 = arith.sitofp %iota3A_35 : vector<1x1024xi32> to vector<1x1024xf32>
    %add3A_37 = arith.constant 5.000000e-01 : f32
    %add3A_38 = vector.broadcast %add3A_37 : f32 to vector<1x1024xf32>
    %add3A_39 = arith.addf %convert_element_type3A_36, %add3A_38 : vector<1x1024xf32>
    %div3A_40 = arith.constant 1.024000e+03 : f32
    %div3A_41 = vector.broadcast %div3A_40 : f32 to vector<1x1024xf32>
    %div3A_42 = arith.divf %add3A_39, %div3A_41 : vector<1x1024xf32>
    %sub3A_43 = arith.subf %sub3A_20, %sub3A_34 : vector<21x1024xf32>
    %mul3A = vector.broadcast %div3A_42 : vector<1x1024xf32> to vector<21x1024xf32>
    %mul3A_44 = arith.mulf %mul3A, %sub3A_43 : vector<21x1024xf32>
    %reduce_sum3A_45 = arith.constant dense<0.000000e+00> : vector<21xf32>
    %reduce_sum3A_46 = vector.multi_reduction <add>, %mul3A_44, %reduce_sum3A_45 [1] : vector<21x1024xf32> to vector<21xf32>
    %broadcast_in_dim3A = vector.shape_cast %reduce_sum3A_46 : vector<21xf32> to vector<21x1xf32>
    %gt3A = arith.constant 0.000000e+00 : f32
    %gt3A_47 = vector.broadcast %gt3A : f32 to vector<21x1xf32>
    %gt3A_48 = arith.cmpf ogt, %slice3A_11, %gt3A_47 : vector<21x1xf32>
    %convert_element_type3A_49 = arith.extui %gt3A_48 : vector<21x1xi1> to vector<21x1xi32>
    %convert_element_type3A_50 = arith.sitofp %convert_element_type3A_49 : vector<21x1xi32> to vector<21x1xf32>
    %mul3A_51 = arith.mulf %broadcast_in_dim3A, %convert_element_type3A_50 : vector<21x1xf32>
    %reduce_sum3A_52 = vector.shape_cast %mul3A_51 : vector<21x1xf32> to vector<1x21x1xf32>
    %reduce_sum3A_53 = arith.constant dense<0.000000e+00> : vector<1xf32>
    %reduce_sum3A_54 = vector.multi_reduction <add>, %reduce_sum3A_52, %reduce_sum3A_53 [1, 2] : vector<1x21x1xf32> to vector<1xf32>
    %reduce_sum3A_55 = vector.shape_cast %reduce_sum3A_54 : vector<1xf32> to vector<1x1x1xf32>
    %reduce_sum3A_56 = vector.extract %reduce_sum3A_55[0, 0, 0] : f32 from vector<1x1x1xf32>
    %broadcast_in_dim3A_57 = vector.broadcast %reduce_sum3A_56 : f32 to vector<1x1xf32>
    %reduce_sum3A_58 = vector.shape_cast %convert_element_type3A_50 : vector<21x1xf32> to vector<1x21x1xf32>
    %reduce_sum3A_59 = arith.constant dense<0.000000e+00> : vector<1xf32>
    %reduce_sum3A_60 = vector.multi_reduction <add>, %reduce_sum3A_58, %reduce_sum3A_59 [1, 2] : vector<1x21x1xf32> to vector<1xf32>
    %reduce_sum3A_61 = vector.shape_cast %reduce_sum3A_60 : vector<1xf32> to vector<1x1x1xf32>
    %reduce_sum3A_62 = vector.extract %reduce_sum3A_61[0, 0, 0] : f32 from vector<1x1x1xf32>
    %broadcast_in_dim3A_63 = vector.broadcast %reduce_sum3A_62 : f32 to vector<1x1xf32>
    %max3A_64 = arith.constant 1.000000e+00 : f32
    %max3A_65 = vector.broadcast %max3A_64 : f32 to vector<1x1xf32>
    %max3A_66 = arith.maximumf %broadcast_in_dim3A_63, %max3A_65 : vector<1x1xf32>
    %div3A_67 = arith.divf %broadcast_in_dim3A_57, %max3A_66 : vector<1x1xf32>
    %swap3A = arith.constant 0 : index
    %swap3A_68 = arith.constant 0 : index
    %swap3A_69 = vector.load %arg1[%swap3A, %swap3A_68] : memref<1x1xf32, #tpu.memory_space<vmem>>, vector<1x1xf32>
    tpu.vector_store %arg1[%swap3A, %swap3A_68], %div3A_67 {strides = array<i32>} : memref<1x1xf32, #tpu.memory_space<vmem>>, vector<1x1xf32>,
    return
  }
}

module attributes {stable_mosaic.version = 14 : i64} {
  func.func @_bin_kernel(%arg0: i32, %arg1: i32, %arg2: memref<1x21x64x512xf32, #tpu.memory_space<vmem>>, %arg3: memref<1x64x512xi32, #tpu.memory_space<vmem>>, %arg4: memref<1x16x21x8x128xi32, #tpu.memory_space<vmem>>) attributes {dimension_semantics = [#tpu.dimension_semantics<arbitrary>, #tpu.dimension_semantics<arbitrary>], iteration_bounds = array<i64: 4, 8>, scalar_prefetch = 0 : i64, scratch_operands = 0 : i64, tpu.core_type = #tpu.core_type<tc>, window_params = [{transform_indices = @transform_0, window_bounds = array<i64: 1, 21, 64, 512>}, {transform_indices = @transform_1, window_bounds = array<i64: 1, 64, 512>}, {transform_indices = @transform_2, window_bounds = array<i64: 1, 16, 21, 8, 128>}]} {
    %get3A = arith.constant 0 : index
    %get3A_0 = arith.constant 0 : index
    %get3A_1 = arith.constant 0 : index
    %get3A_2 = arith.constant 0 : index
    %get3A_3 = vector.load %arg2[%get3A, %get3A_0, %get3A_1, %get3A_2] : memref<1x21x64x512xf32, #tpu.memory_space<vmem>>, vector<1x21x64x512xf32>
    %get3A_4 = vector.shape_cast %get3A_3 : vector<1x21x64x512xf32> to vector<21x64x512xf32>
    %reduce_max3A = arith.constant dense<0xFF800000> : vector<64x512xf32>
    %reduce_max3A_5 = vector.multi_reduction <maximumf>, %get3A_4, %reduce_max3A [0] : vector<21x64x512xf32> to vector<64x512xf32>
    %broadcast_in_dim3A = vector.shape_cast %reduce_max3A_5 : vector<64x512xf32> to vector<1x64x512xf32>
    %sub3A = vector.broadcast %broadcast_in_dim3A : vector<1x64x512xf32> to vector<21x64x512xf32>
    %sub3A_6 = arith.subf %get3A_4, %sub3A : vector<21x64x512xf32>
    %exp3A = math.exp %sub3A_6 : vector<21x64x512xf32>
    %reduce_sum3A = arith.constant dense<0.000000e+00> : vector<64x512xf32>
    %reduce_sum3A_7 = vector.multi_reduction <add>, %exp3A, %reduce_sum3A [0] : vector<21x64x512xf32> to vector<64x512xf32>
    %div3A = arith.constant 1.000000e+00 : f32
    %div3A_8 = vector.broadcast %div3A : f32 to vector<64x512xf32>
    %div3A_9 = arith.divf %div3A_8, %reduce_sum3A_7 : vector<64x512xf32>
    %broadcast_in_dim3A_10 = vector.shape_cast %div3A_9 : vector<64x512xf32> to vector<1x64x512xf32>
    %mul3A = vector.broadcast %broadcast_in_dim3A_10 : vector<1x64x512xf32> to vector<21x64x512xf32>
    %mul3A_11 = arith.mulf %exp3A, %mul3A : vector<21x64x512xf32>
    %get3A_12 = arith.constant 0 : index
    %get3A_13 = arith.constant 0 : index
    %get3A_14 = arith.constant 0 : index
    %get3A_15 = vector.load %arg3[%get3A_12, %get3A_13, %get3A_14] : memref<1x64x512xi32, #tpu.memory_space<vmem>>, vector<1x64x512xi32>
    %get3A_16 = vector.shape_cast %get3A_15 : vector<1x64x512xi32> to vector<64x512xi32>
    %iota3A = tpu.iota {dimensions = array<i32: 0>} : vector<21x64x512xi32>
    %broadcast_in_dim3A_17 = vector.shape_cast %get3A_16 : vector<64x512xi32> to vector<1x64x512xi32>
    %eq3A = vector.broadcast %broadcast_in_dim3A_17 : vector<1x64x512xi32> to vector<21x64x512xi32>
    %eq3A_18 = arith.cmpi eq, %eq3A, %iota3A : vector<21x64x512xi32>
    %sub3A_19 = arith.constant 1.000000e+00 : f32
    %sub3A_20 = vector.broadcast %sub3A_19 : f32 to vector<21x64x512xf32>
    %sub3A_21 = arith.subf %sub3A_20, %mul3A_11 : vector<21x64x512xf32>
    %select_n3A = arith.select %eq3A_18, %sub3A_21, %mul3A_11 : vector<21x64x512xi1>, vector<21x64x512xf32>
    %mul3A_22 = arith.constant 1.024000e+03 : f32
    %mul3A_23 = vector.broadcast %mul3A_22 : f32 to vector<21x64x512xf32>
    %mul3A_24 = arith.mulf %select_n3A, %mul3A_23 : vector<21x64x512xf32>
    %convert_element_type3A = arith.fptosi %mul3A_24 : vector<21x64x512xf32> to vector<21x64x512xi32>
    %min3A = arith.constant 1023 : i32
    %min3A_25 = vector.broadcast %min3A : i32 to vector<21x64x512xi32>
    %min3A_26 = arith.minsi %convert_element_type3A, %min3A_25 : vector<21x64x512xi32>
    %mul3A_27 = arith.constant 2048 : i32
    %mul3A_28 = vector.broadcast %mul3A_27 : i32 to vector<21x64x512xi32>
    %mul3A_29 = arith.muli %iota3A, %mul3A_28 : vector<21x64x512xi32>
    %jit3A = arith.constant 1024 : i32
    %jit3A_30 = arith.constant 0 : i32
    %broadcast_in_dim3A_31 = vector.broadcast %jit3A : i32 to vector<21x64x512xi32>
    %broadcast_in_dim3A_32 = vector.broadcast %jit3A_30 : i32 to vector<21x64x512xi32>
    %select_n3A_33 = arith.select %eq3A_18, %broadcast_in_dim3A_31, %broadcast_in_dim3A_32 : vector<21x64x512xi1>, vector<21x64x512xi32>
    %add3A = arith.addi %mul3A_29, %select_n3A_33 : vector<21x64x512xi32>
    %add3A_34 = arith.addi %add3A, %min3A_26 : vector<21x64x512xi32>
    %slice3A = vector.extract_strided_slice %add3A_34 {offsets = [0, 0, 0], sizes = [21, 8, 512], strides = [1, 1, 1]} : vector<21x64x512xi32> to vector<21x8x512xi32>
    %slice3A_35 = vector.extract_strided_slice %slice3A {offsets = [0, 0, 0], sizes = [21, 8, 256], strides = [1, 1, 1]} : vector<21x8x512xi32> to vector<21x8x256xi32>
    %slice3A_36 = vector.extract_strided_slice %slice3A {offsets = [0, 0, 256], sizes = [21, 8, 256], strides = [1, 1, 1]} : vector<21x8x512xi32> to vector<21x8x256xi32>
    %shift_left3A = arith.constant 16 : i32
    %shift_left3A_37 = vector.broadcast %shift_left3A : i32 to vector<21x8x256xi32>
    %shift_left3A_38 = arith.shli %slice3A_36, %shift_left3A_37 : vector<21x8x256xi32>
    %or3A = arith.ori %slice3A_35, %shift_left3A_38 : vector<21x8x256xi32>
    %slice3A_39 = vector.extract_strided_slice %or3A {offsets = [0, 0, 0], sizes = [21, 8, 128], strides = [1, 1, 1]} : vector<21x8x256xi32> to vector<21x8x128xi32>
    %swap3A = arith.constant 0 : index
    %swap3A_40 = arith.constant 0 : index
    %swap3A_41 = arith.constant 0 : index
    %swap3A_42 = arith.constant 0 : index
    %swap3A_43 = arith.constant 0 : index
    %swap3A_44 = vector.load %arg4[%swap3A, %swap3A_40, %swap3A_41, %swap3A_42, %swap3A_43] : memref<1x16x21x8x128xi32, #tpu.memory_space<vmem>>, vector<1x1x21x8x128xi32>
    %swap3A_45 = vector.shape_cast %swap3A_44 : vector<1x1x21x8x128xi32> to vector<21x8x128xi32>
    %swap3A_46 = vector.shape_cast %slice3A_39 : vector<21x8x128xi32> to vector<1x1x21x8x128xi32>
    tpu.vector_store %arg4[%swap3A, %swap3A_40, %swap3A_41, %swap3A_42, %swap3A_43], %swap3A_46 {strides = array<i32>} : memref<1x16x21x8x128xi32, #tpu.memory_space<vmem>>, vector<1x1x21x8x128xi32>,
    %slice3A_47 = vector.extract_strided_slice %or3A {offsets = [0, 0, 128], sizes = [21, 8, 128], strides = [1, 1, 1]} : vector<21x8x256xi32> to vector<21x8x128xi32>
    %swap3A_48 = arith.constant 0 : index
    %swap3A_49 = arith.constant 1 : index
    %swap3A_50 = arith.constant 0 : index
    %swap3A_51 = arith.constant 0 : index
    %swap3A_52 = arith.constant 0 : index
    %swap3A_53 = vector.load %arg4[%swap3A_48, %swap3A_49, %swap3A_50, %swap3A_51, %swap3A_52] : memref<1x16x21x8x128xi32, #tpu.memory_space<vmem>>, vector<1x1x21x8x128xi32>
    %swap3A_54 = vector.shape_cast %swap3A_53 : vector<1x1x21x8x128xi32> to vector<21x8x128xi32>
    %swap3A_55 = vector.shape_cast %slice3A_47 : vector<21x8x128xi32> to vector<1x1x21x8x128xi32>
    tpu.vector_store %arg4[%swap3A_48, %swap3A_49, %swap3A_50, %swap3A_51, %swap3A_52], %swap3A_55 {strides = array<i32>} : memref<1x16x21x8x128xi32, #tpu.memory_space<vmem>>, vector<1x1x21x8x128xi32>,
    %slice3A_56 = vector.extract_strided_slice %add3A_34 {offsets = [0, 8, 0], sizes = [21, 8, 512], strides = [1, 1, 1]} : vector<21x64x512xi32> to vector<21x8x512xi32>
    %slice3A_57 = vector.extract_strided_slice %slice3A_56 {offsets = [0, 0, 0], sizes = [21, 8, 256], strides = [1, 1, 1]} : vector<21x8x512xi32> to vector<21x8x256xi32>
    %slice3A_58 = vector.extract_strided_slice %slice3A_56 {offsets = [0, 0, 256], sizes = [21, 8, 256], strides = [1, 1, 1]} : vector<21x8x512xi32> to vector<21x8x256xi32>
    %shift_left3A_59 = arith.constant 16 : i32
    %shift_left3A_60 = vector.broadcast %shift_left3A_59 : i32 to vector<21x8x256xi32>
    %shift_left3A_61 = arith.shli %slice3A_58, %shift_left3A_60 : vector<21x8x256xi32>
    %or3A_62 = arith.ori %slice3A_57, %shift_left3A_61 : vector<21x8x256xi32>
    %slice3A_63 = vector.extract_strided_slice %or3A_62 {offsets = [0, 0, 0], sizes = [21, 8, 128], strides = [1, 1, 1]} : vector<21x8x256xi32> to vector<21x8x128xi32>
    %swap3A_64 = arith.constant 0 : index
    %swap3A_65 = arith.constant 2 : index
    %swap3A_66 = arith.constant 0 : index
    %swap3A_67 = arith.constant 0 : index
    %swap3A_68 = arith.constant 0 : index
    %swap3A_69 = vector.load %arg4[%swap3A_64, %swap3A_65, %swap3A_66, %swap3A_67, %swap3A_68] : memref<1x16x21x8x128xi32, #tpu.memory_space<vmem>>, vector<1x1x21x8x128xi32>
    %swap3A_70 = vector.shape_cast %swap3A_69 : vector<1x1x21x8x128xi32> to vector<21x8x128xi32>
    %swap3A_71 = vector.shape_cast %slice3A_63 : vector<21x8x128xi32> to vector<1x1x21x8x128xi32>
    tpu.vector_store %arg4[%swap3A_64, %swap3A_65, %swap3A_66, %swap3A_67, %swap3A_68], %swap3A_71 {strides = array<i32>} : memref<1x16x21x8x128xi32, #tpu.memory_space<vmem>>, vector<1x1x21x8x128xi32>,
    %slice3A_72 = vector.extract_strided_slice %or3A_62 {offsets = [0, 0, 128], sizes = [21, 8, 128], strides = [1, 1, 1]} : vector<21x8x256xi32> to vector<21x8x128xi32>
    %swap3A_73 = arith.constant 0 : index
    %swap3A_74 = arith.constant 3 : index
    %swap3A_75 = arith.constant 0 : index
    %swap3A_76 = arith.constant 0 : index
    %swap3A_77 = arith.constant 0 : index
    %swap3A_78 = vector.load %arg4[%swap3A_73, %swap3A_74, %swap3A_75, %swap3A_76, %swap3A_77] : memref<1x16x21x8x128xi32, #tpu.memory_space<vmem>>, vector<1x1x21x8x128xi32>
    %swap3A_79 = vector.shape_cast %swap3A_78 : vector<1x1x21x8x128xi32> to vector<21x8x128xi32>
    %swap3A_80 = vector.shape_cast %slice3A_72 : vector<21x8x128xi32> to vector<1x1x21x8x128xi32>
    tpu.vector_store %arg4[%swap3A_73, %swap3A_74, %swap3A_75, %swap3A_76, %swap3A_77], %swap3A_80 {strides = array<i32>} : memref<1x16x21x8x128xi32, #tpu.memory_space<vmem>>, vector<1x1x21x8x128xi32>,
    %slice3A_81 = vector.extract_strided_slice %add3A_34 {offsets = [0, 16, 0], sizes = [21, 8, 512], strides = [1, 1, 1]} : vector<21x64x512xi32> to vector<21x8x512xi32>
    %slice3A_82 = vector.extract_strided_slice %slice3A_81 {offsets = [0, 0, 0], sizes = [21, 8, 256], strides = [1, 1, 1]} : vector<21x8x512xi32> to vector<21x8x256xi32>
    %slice3A_83 = vector.extract_strided_slice %slice3A_81 {offsets = [0, 0, 256], sizes = [21, 8, 256], strides = [1, 1, 1]} : vector<21x8x512xi32> to vector<21x8x256xi32>
    %shift_left3A_84 = arith.constant 16 : i32
    %shift_left3A_85 = vector.broadcast %shift_left3A_84 : i32 to vector<21x8x256xi32>
    %shift_left3A_86 = arith.shli %slice3A_83, %shift_left3A_85 : vector<21x8x256xi32>
    %or3A_87 = arith.ori %slice3A_82, %shift_left3A_86 : vector<21x8x256xi32>
    %slice3A_88 = vector.extract_strided_slice %or3A_87 {offsets = [0, 0, 0], sizes = [21, 8, 128], strides = [1, 1, 1]} : vector<21x8x256xi32> to vector<21x8x128xi32>
    %swap3A_89 = arith.constant 0 : index
    %swap3A_90 = arith.constant 4 : index
    %swap3A_91 = arith.constant 0 : index
    %swap3A_92 = arith.constant 0 : index
    %swap3A_93 = arith.constant 0 : index
    %swap3A_94 = vector.load %arg4[%swap3A_89, %swap3A_90, %swap3A_91, %swap3A_92, %swap3A_93] : memref<1x16x21x8x128xi32, #tpu.memory_space<vmem>>, vector<1x1x21x8x128xi32>
    %swap3A_95 = vector.shape_cast %swap3A_94 : vector<1x1x21x8x128xi32> to vector<21x8x128xi32>
    %swap3A_96 = vector.shape_cast %slice3A_88 : vector<21x8x128xi32> to vector<1x1x21x8x128xi32>
    tpu.vector_store %arg4[%swap3A_89, %swap3A_90, %swap3A_91, %swap3A_92, %swap3A_93], %swap3A_96 {strides = array<i32>} : memref<1x16x21x8x128xi32, #tpu.memory_space<vmem>>, vector<1x1x21x8x128xi32>,
    %slice3A_97 = vector.extract_strided_slice %or3A_87 {offsets = [0, 0, 128], sizes = [21, 8, 128], strides = [1, 1, 1]} : vector<21x8x256xi32> to vector<21x8x128xi32>
    %swap3A_98 = arith.constant 0 : index
    %swap3A_99 = arith.constant 5 : index
    %swap3A_100 = arith.constant 0 : index
    %swap3A_101 = arith.constant 0 : index
    %swap3A_102 = arith.constant 0 : index
    %swap3A_103 = vector.load %arg4[%swap3A_98, %swap3A_99, %swap3A_100, %swap3A_101, %swap3A_102] : memref<1x16x21x8x128xi32, #tpu.memory_space<vmem>>, vector<1x1x21x8x128xi32>
    %swap3A_104 = vector.shape_cast %swap3A_103 : vector<1x1x21x8x128xi32> to vector<21x8x128xi32>
    %swap3A_105 = vector.shape_cast %slice3A_97 : vector<21x8x128xi32> to vector<1x1x21x8x128xi32>
    tpu.vector_store %arg4[%swap3A_98, %swap3A_99, %swap3A_100, %swap3A_101, %swap3A_102], %swap3A_105 {strides = array<i32>} : memref<1x16x21x8x128xi32, #tpu.memory_space<vmem>>, vector<1x1x21x8x128xi32>,
    %slice3A_106 = vector.extract_strided_slice %add3A_34 {offsets = [0, 24, 0], sizes = [21, 8, 512], strides = [1, 1, 1]} : vector<21x64x512xi32> to vector<21x8x512xi32>
    %slice3A_107 = vector.extract_strided_slice %slice3A_106 {offsets = [0, 0, 0], sizes = [21, 8, 256], strides = [1, 1, 1]} : vector<21x8x512xi32> to vector<21x8x256xi32>
    %slice3A_108 = vector.extract_strided_slice %slice3A_106 {offsets = [0, 0, 256], sizes = [21, 8, 256], strides = [1, 1, 1]} : vector<21x8x512xi32> to vector<21x8x256xi32>
    %shift_left3A_109 = arith.constant 16 : i32
    %shift_left3A_110 = vector.broadcast %shift_left3A_109 : i32 to vector<21x8x256xi32>
    %shift_left3A_111 = arith.shli %slice3A_108, %shift_left3A_110 : vector<21x8x256xi32>
    %or3A_112 = arith.ori %slice3A_107, %shift_left3A_111 : vector<21x8x256xi32>
    %slice3A_113 = vector.extract_strided_slice %or3A_112 {offsets = [0, 0, 0], sizes = [21, 8, 128], strides = [1, 1, 1]} : vector<21x8x256xi32> to vector<21x8x128xi32>
    %swap3A_114 = arith.constant 0 : index
    %swap3A_115 = arith.constant 6 : index
    %swap3A_116 = arith.constant 0 : index
    %swap3A_117 = arith.constant 0 : index
    %swap3A_118 = arith.constant 0 : index
    %swap3A_119 = vector.load %arg4[%swap3A_114, %swap3A_115, %swap3A_116, %swap3A_117, %swap3A_118] : memref<1x16x21x8x128xi32, #tpu.memory_space<vmem>>, vector<1x1x21x8x128xi32>
    %swap3A_120 = vector.shape_cast %swap3A_119 : vector<1x1x21x8x128xi32> to vector<21x8x128xi32>
    %swap3A_121 = vector.shape_cast %slice3A_113 : vector<21x8x128xi32> to vector<1x1x21x8x128xi32>
    tpu.vector_store %arg4[%swap3A_114, %swap3A_115, %swap3A_116, %swap3A_117, %swap3A_118], %swap3A_121 {strides = array<i32>} : memref<1x16x21x8x128xi32, #tpu.memory_space<vmem>>, vector<1x1x21x8x128xi32>,
    %slice3A_122 = vector.extract_strided_slice %or3A_112 {offsets = [0, 0, 128], sizes = [21, 8, 128], strides = [1, 1, 1]} : vector<21x8x256xi32> to vector<21x8x128xi32>
    %swap3A_123 = arith.constant 0 : index
    %swap3A_124 = arith.constant 7 : index
    %swap3A_125 = arith.constant 0 : index
    %swap3A_126 = arith.constant 0 : index
    %swap3A_127 = arith.constant 0 : index
    %swap3A_128 = vector.load %arg4[%swap3A_123, %swap3A_124, %swap3A_125, %swap3A_126, %swap3A_127] : memref<1x16x21x8x128xi32, #tpu.memory_space<vmem>>, vector<1x1x21x8x128xi32>
    %swap3A_129 = vector.shape_cast %swap3A_128 : vector<1x1x21x8x128xi32> to vector<21x8x128xi32>
    %swap3A_130 = vector.shape_cast %slice3A_122 : vector<21x8x128xi32> to vector<1x1x21x8x128xi32>
    tpu.vector_store %arg4[%swap3A_123, %swap3A_124, %swap3A_125, %swap3A_126, %swap3A_127], %swap3A_130 {strides = array<i32>} : memref<1x16x21x8x128xi32, #tpu.memory_space<vmem>>, vector<1x1x21x8x128xi32>,
    %slice3A_131 = vector.extract_strided_slice %add3A_34 {offsets = [0, 32, 0], sizes = [21, 8, 512], strides = [1, 1, 1]} : vector<21x64x512xi32> to vector<21x8x512xi32>
    %slice3A_132 = vector.extract_strided_slice %slice3A_131 {offsets = [0, 0, 0], sizes = [21, 8, 256], strides = [1, 1, 1]} : vector<21x8x512xi32> to vector<21x8x256xi32>
    %slice3A_133 = vector.extract_strided_slice %slice3A_131 {offsets = [0, 0, 256], sizes = [21, 8, 256], strides = [1, 1, 1]} : vector<21x8x512xi32> to vector<21x8x256xi32>
    %shift_left3A_134 = arith.constant 16 : i32
    %shift_left3A_135 = vector.broadcast %shift_left3A_134 : i32 to vector<21x8x256xi32>
    %shift_left3A_136 = arith.shli %slice3A_133, %shift_left3A_135 : vector<21x8x256xi32>
    %or3A_137 = arith.ori %slice3A_132, %shift_left3A_136 : vector<21x8x256xi32>
    %slice3A_138 = vector.extract_strided_slice %or3A_137 {offsets = [0, 0, 0], sizes = [21, 8, 128], strides = [1, 1, 1]} : vector<21x8x256xi32> to vector<21x8x128xi32>
    %swap3A_139 = arith.constant 0 : index
    %swap3A_140 = arith.constant 8 : index
    %swap3A_141 = arith.constant 0 : index
    %swap3A_142 = arith.constant 0 : index
    %swap3A_143 = arith.constant 0 : index
    %swap3A_144 = vector.load %arg4[%swap3A_139, %swap3A_140, %swap3A_141, %swap3A_142, %swap3A_143] : memref<1x16x21x8x128xi32, #tpu.memory_space<vmem>>, vector<1x1x21x8x128xi32>
    %swap3A_145 = vector.shape_cast %swap3A_144 : vector<1x1x21x8x128xi32> to vector<21x8x128xi32>
    %swap3A_146 = vector.shape_cast %slice3A_138 : vector<21x8x128xi32> to vector<1x1x21x8x128xi32>
    tpu.vector_store %arg4[%swap3A_139, %swap3A_140, %swap3A_141, %swap3A_142, %swap3A_143], %swap3A_146 {strides = array<i32>} : memref<1x16x21x8x128xi32, #tpu.memory_space<vmem>>, vector<1x1x21x8x128xi32>,
    %slice3A_147 = vector.extract_strided_slice %or3A_137 {offsets = [0, 0, 128], sizes = [21, 8, 128], strides = [1, 1, 1]} : vector<21x8x256xi32> to vector<21x8x128xi32>
    %swap3A_148 = arith.constant 0 : index
    %swap3A_149 = arith.constant 9 : index
    %swap3A_150 = arith.constant 0 : index
    %swap3A_151 = arith.constant 0 : index
    %swap3A_152 = arith.constant 0 : index
    %swap3A_153 = vector.load %arg4[%swap3A_148, %swap3A_149, %swap3A_150, %swap3A_151, %swap3A_152] : memref<1x16x21x8x128xi32, #tpu.memory_space<vmem>>, vector<1x1x21x8x128xi32>
    %swap3A_154 = vector.shape_cast %swap3A_153 : vector<1x1x21x8x128xi32> to vector<21x8x128xi32>
    %swap3A_155 = vector.shape_cast %slice3A_147 : vector<21x8x128xi32> to vector<1x1x21x8x128xi32>
    tpu.vector_store %arg4[%swap3A_148, %swap3A_149, %swap3A_150, %swap3A_151, %swap3A_152], %swap3A_155 {strides = array<i32>} : memref<1x16x21x8x128xi32, #tpu.memory_space<vmem>>, vector<1x1x21x8x128xi32>,
    %slice3A_156 = vector.extract_strided_slice %add3A_34 {offsets = [0, 40, 0], sizes = [21, 8, 512], strides = [1, 1, 1]} : vector<21x64x512xi32> to vector<21x8x512xi32>
    %slice3A_157 = vector.extract_strided_slice %slice3A_156 {offsets = [0, 0, 0], sizes = [21, 8, 256], strides = [1, 1, 1]} : vector<21x8x512xi32> to vector<21x8x256xi32>
    %slice3A_158 = vector.extract_strided_slice %slice3A_156 {offsets = [0, 0, 256], sizes = [21, 8, 256], strides = [1, 1, 1]} : vector<21x8x512xi32> to vector<21x8x256xi32>
    %shift_left3A_159 = arith.constant 16 : i32
    %shift_left3A_160 = vector.broadcast %shift_left3A_159 : i32 to vector<21x8x256xi32>
    %shift_left3A_161 = arith.shli %slice3A_158, %shift_left3A_160 : vector<21x8x256xi32>
    %or3A_162 = arith.ori %slice3A_157, %shift_left3A_161 : vector<21x8x256xi32>
    %slice3A_163 = vector.extract_strided_slice %or3A_162 {offsets = [0, 0, 0], sizes = [21, 8, 128], strides = [1, 1, 1]} : vector<21x8x256xi32> to vector<21x8x128xi32>
    %swap3A_164 = arith.constant 0 : index
    %swap3A_165 = arith.constant 10 : index
    %swap3A_166 = arith.constant 0 : index
    %swap3A_167 = arith.constant 0 : index
    %swap3A_168 = arith.constant 0 : index
    %swap3A_169 = vector.load %arg4[%swap3A_164, %swap3A_165, %swap3A_166, %swap3A_167, %swap3A_168] : memref<1x16x21x8x128xi32, #tpu.memory_space<vmem>>, vector<1x1x21x8x128xi32>
    %swap3A_170 = vector.shape_cast %swap3A_169 : vector<1x1x21x8x128xi32> to vector<21x8x128xi32>
    %swap3A_171 = vector.shape_cast %slice3A_163 : vector<21x8x128xi32> to vector<1x1x21x8x128xi32>
    tpu.vector_store %arg4[%swap3A_164, %swap3A_165, %swap3A_166, %swap3A_167, %swap3A_168], %swap3A_171 {strides = array<i32>} : memref<1x16x21x8x128xi32, #tpu.memory_space<vmem>>, vector<1x1x21x8x128xi32>,
    %slice3A_172 = vector.extract_strided_slice %or3A_162 {offsets = [0, 0, 128], sizes = [21, 8, 128], strides = [1, 1, 1]} : vector<21x8x256xi32> to vector<21x8x128xi32>
    %swap3A_173 = arith.constant 0 : index
    %swap3A_174 = arith.constant 11 : index
    %swap3A_175 = arith.constant 0 : index
    %swap3A_176 = arith.constant 0 : index
    %swap3A_177 = arith.constant 0 : index
    %swap3A_178 = vector.load %arg4[%swap3A_173, %swap3A_174, %swap3A_175, %swap3A_176, %swap3A_177] : memref<1x16x21x8x128xi32, #tpu.memory_space<vmem>>, vector<1x1x21x8x128xi32>
    %swap3A_179 = vector.shape_cast %swap3A_178 : vector<1x1x21x8x128xi32> to vector<21x8x128xi32>
    %swap3A_180 = vector.shape_cast %slice3A_172 : vector<21x8x128xi32> to vector<1x1x21x8x128xi32>
    tpu.vector_store %arg4[%swap3A_173, %swap3A_174, %swap3A_175, %swap3A_176, %swap3A_177], %swap3A_180 {strides = array<i32>} : memref<1x16x21x8x128xi32, #tpu.memory_space<vmem>>, vector<1x1x21x8x128xi32>,
    %slice3A_181 = vector.extract_strided_slice %add3A_34 {offsets = [0, 48, 0], sizes = [21, 8, 512], strides = [1, 1, 1]} : vector<21x64x512xi32> to vector<21x8x512xi32>
    %slice3A_182 = vector.extract_strided_slice %slice3A_181 {offsets = [0, 0, 0], sizes = [21, 8, 256], strides = [1, 1, 1]} : vector<21x8x512xi32> to vector<21x8x256xi32>
    %slice3A_183 = vector.extract_strided_slice %slice3A_181 {offsets = [0, 0, 256], sizes = [21, 8, 256], strides = [1, 1, 1]} : vector<21x8x512xi32> to vector<21x8x256xi32>
    %shift_left3A_184 = arith.constant 16 : i32
    %shift_left3A_185 = vector.broadcast %shift_left3A_184 : i32 to vector<21x8x256xi32>
    %shift_left3A_186 = arith.shli %slice3A_183, %shift_left3A_185 : vector<21x8x256xi32>
    %or3A_187 = arith.ori %slice3A_182, %shift_left3A_186 : vector<21x8x256xi32>
    %slice3A_188 = vector.extract_strided_slice %or3A_187 {offsets = [0, 0, 0], sizes = [21, 8, 128], strides = [1, 1, 1]} : vector<21x8x256xi32> to vector<21x8x128xi32>
    %swap3A_189 = arith.constant 0 : index
    %swap3A_190 = arith.constant 12 : index
    %swap3A_191 = arith.constant 0 : index
    %swap3A_192 = arith.constant 0 : index
    %swap3A_193 = arith.constant 0 : index
    %swap3A_194 = vector.load %arg4[%swap3A_189, %swap3A_190, %swap3A_191, %swap3A_192, %swap3A_193] : memref<1x16x21x8x128xi32, #tpu.memory_space<vmem>>, vector<1x1x21x8x128xi32>
    %swap3A_195 = vector.shape_cast %swap3A_194 : vector<1x1x21x8x128xi32> to vector<21x8x128xi32>
    %swap3A_196 = vector.shape_cast %slice3A_188 : vector<21x8x128xi32> to vector<1x1x21x8x128xi32>
    tpu.vector_store %arg4[%swap3A_189, %swap3A_190, %swap3A_191, %swap3A_192, %swap3A_193], %swap3A_196 {strides = array<i32>} : memref<1x16x21x8x128xi32, #tpu.memory_space<vmem>>, vector<1x1x21x8x128xi32>,
    %slice3A_197 = vector.extract_strided_slice %or3A_187 {offsets = [0, 0, 128], sizes = [21, 8, 128], strides = [1, 1, 1]} : vector<21x8x256xi32> to vector<21x8x128xi32>
    %swap3A_198 = arith.constant 0 : index
    %swap3A_199 = arith.constant 13 : index
    %swap3A_200 = arith.constant 0 : index
    %swap3A_201 = arith.constant 0 : index
    %swap3A_202 = arith.constant 0 : index
    %swap3A_203 = vector.load %arg4[%swap3A_198, %swap3A_199, %swap3A_200, %swap3A_201, %swap3A_202] : memref<1x16x21x8x128xi32, #tpu.memory_space<vmem>>, vector<1x1x21x8x128xi32>
    %swap3A_204 = vector.shape_cast %swap3A_203 : vector<1x1x21x8x128xi32> to vector<21x8x128xi32>
    %swap3A_205 = vector.shape_cast %slice3A_197 : vector<21x8x128xi32> to vector<1x1x21x8x128xi32>
    tpu.vector_store %arg4[%swap3A_198, %swap3A_199, %swap3A_200, %swap3A_201, %swap3A_202], %swap3A_205 {strides = array<i32>} : memref<1x16x21x8x128xi32, #tpu.memory_space<vmem>>, vector<1x1x21x8x128xi32>,
    %slice3A_206 = vector.extract_strided_slice %add3A_34 {offsets = [0, 56, 0], sizes = [21, 8, 512], strides = [1, 1, 1]} : vector<21x64x512xi32> to vector<21x8x512xi32>
    %slice3A_207 = vector.extract_strided_slice %slice3A_206 {offsets = [0, 0, 0], sizes = [21, 8, 256], strides = [1, 1, 1]} : vector<21x8x512xi32> to vector<21x8x256xi32>
    %slice3A_208 = vector.extract_strided_slice %slice3A_206 {offsets = [0, 0, 256], sizes = [21, 8, 256], strides = [1, 1, 1]} : vector<21x8x512xi32> to vector<21x8x256xi32>
    %shift_left3A_209 = arith.constant 16 : i32
    %shift_left3A_210 = vector.broadcast %shift_left3A_209 : i32 to vector<21x8x256xi32>
    %shift_left3A_211 = arith.shli %slice3A_208, %shift_left3A_210 : vector<21x8x256xi32>
    %or3A_212 = arith.ori %slice3A_207, %shift_left3A_211 : vector<21x8x256xi32>
    %slice3A_213 = vector.extract_strided_slice %or3A_212 {offsets = [0, 0, 0], sizes = [21, 8, 128], strides = [1, 1, 1]} : vector<21x8x256xi32> to vector<21x8x128xi32>
    %swap3A_214 = arith.constant 0 : index
    %swap3A_215 = arith.constant 14 : index
    %swap3A_216 = arith.constant 0 : index
    %swap3A_217 = arith.constant 0 : index
    %swap3A_218 = arith.constant 0 : index
    %swap3A_219 = vector.load %arg4[%swap3A_214, %swap3A_215, %swap3A_216, %swap3A_217, %swap3A_218] : memref<1x16x21x8x128xi32, #tpu.memory_space<vmem>>, vector<1x1x21x8x128xi32>
    %swap3A_220 = vector.shape_cast %swap3A_219 : vector<1x1x21x8x128xi32> to vector<21x8x128xi32>
    %swap3A_221 = vector.shape_cast %slice3A_213 : vector<21x8x128xi32> to vector<1x1x21x8x128xi32>
    tpu.vector_store %arg4[%swap3A_214, %swap3A_215, %swap3A_216, %swap3A_217, %swap3A_218], %swap3A_221 {strides = array<i32>} : memref<1x16x21x8x128xi32, #tpu.memory_space<vmem>>, vector<1x1x21x8x128xi32>,
    %slice3A_222 = vector.extract_strided_slice %or3A_212 {offsets = [0, 0, 128], sizes = [21, 8, 128], strides = [1, 1, 1]} : vector<21x8x256xi32> to vector<21x8x128xi32>
    %swap3A_223 = arith.constant 0 : index
    %swap3A_224 = arith.constant 15 : index
    %swap3A_225 = arith.constant 0 : index
    %swap3A_226 = arith.constant 0 : index
    %swap3A_227 = arith.constant 0 : index
    %swap3A_228 = vector.load %arg4[%swap3A_223, %swap3A_224, %swap3A_225, %swap3A_226, %swap3A_227] : memref<1x16x21x8x128xi32, #tpu.memory_space<vmem>>, vector<1x1x21x8x128xi32>
    %swap3A_229 = vector.shape_cast %swap3A_228 : vector<1x1x21x8x128xi32> to vector<21x8x128xi32>
    %swap3A_230 = vector.shape_cast %slice3A_222 : vector<21x8x128xi32> to vector<1x1x21x8x128xi32>
    tpu.vector_store %arg4[%swap3A_223, %swap3A_224, %swap3A_225, %swap3A_226, %swap3A_227], %swap3A_230 {strides = array<i32>} : memref<1x16x21x8x128xi32, #tpu.memory_space<vmem>>, vector<1x1x21x8x128xi32>,
    return
  }
  func.func @transform_0(%arg0: i32, %arg1: i32) -> (i32, i32, i32, i32) {
    %c0_i32 = arith.constant 0 : i32
    %c0_i32_0 = arith.constant 0 : i32
    %c0_i32_1 = arith.constant 0 : i32
    return %arg0, %c0_i32, %arg1, %c0_i32_0 : i32, i32, i32, i32
  }
  func.func @transform_1(%arg0: i32, %arg1: i32) -> (i32, i32, i32) {
    %c0_i32 = arith.constant 0 : i32
    %c0_i32_0 = arith.constant 0 : i32
    return %arg0, %arg1, %c0_i32 : i32, i32, i32
  }
  func.func @transform_2(%arg0: i32, %arg1: i32) -> (i32, i32, i32, i32, i32) {
    %mul3A = arith.constant 8 : i32
    %mul3A_0 = arith.muli %arg0, %mul3A : i32
    %add3A = arith.addi %mul3A_0, %arg1 : i32
    %c0_i32 = arith.constant 0 : i32
    %c0_i32_1 = arith.constant 0 : i32
    %c0_i32_2 = arith.constant 0 : i32
    %c0_i32_3 = arith.constant 0 : i32
    %c0_i32_4 = arith.constant 0 : i32
    return %add3A, %c0_i32, %c0_i32_1, %c0_i32_2, %c0_i32_3 : i32, i32, i32, i32, i32
  }
}

</mosaic_0001>

<sc_bundles>
// kernel: kernel.5.cloned.1.call-start
scs
__scs_entry_jumppad:
0x0: {  	(pc) =	sbr.rel $0x88, $3  }
0x1: {  	(tag) =	ssettag $0x0;
	lr =	simm.s32 $0x1  }
0x2: {  	[smem:$0x3F9F] =	sst lr;
	_ =	strace $0xD0000000  }
0x3: {  	_ = 	snop  }
0x4: {  	_ = 	snop  }
0x5: {  	_ = 	snop  }
0x6: {  	_ = 	snop  }
0x7: {  	_ = 	snop  }
__scs_overlays_trampoline_lowered:
0x8: {  	[smem:$0x3FAE] =	sst s0  }
0x9: {  	[smem:$0x3FAF] =	sst s1  }
0xa: {  	[smem:$0x3FB0] =	sst s2  }
0xb: {  	[smem:$0x3FB1] =	sst s3  }
0xc: {  	[smem:$0x3FB2] =	sst s4  }
0xd: {  	[smem:$0x3FB3] =	sst s5  }
0xe: {  	[smem:$0x3FB4] =	sst s6  }
0xf: {  	[smem:$0x3FB5] =	sst s7  }
0x10: {  	[smem:$0x3FB6] =	sst s8  }
0x11: {  	[smem:$0x3FB7] =	sst s9;
	s0 =	simm.s32 @!p0 $0x0  }
0x12: {  	s1 =	sld [smem:$0x3F9D];
	s0 =	simm.s32 @p0 $0x1  }
0x13: {  	[smem:$0x3FB8] =	sst s0;
	s0 =	simm.s32 @!p1 $0x0  }
0x14: {  	s2 =	sld [smem:$0x3F9C];
	s0 =	simm.s32 @p1 $0x1  }
0x15: {  	[smem:$0x3FB9] =	sst s0;
	s0 =	simm.s32 @!p2 $0x0  }
0x16: {  	s3 =	sld [smem:$0x3FDB];
	s0 =	simm.s32 @p2 $0x1  }
0x17: {  	s4 =	simm.s32 $0x1BF5;
	[smem:$0x3FBB] =	sst s0  }
0x18: {  	s0 =	sld [smem:$0x3F9E];
	_ =	swait.ge [sflag:s4], $0x0  }
0x19: {  	s7 =	sld [smem:$0x3F9F]  }
0x1a: {  	s8 =	sadd.s32 $0xFFFFE003, lr  }
0x1b: {  	s9 =	sadd.s32 $0xFFFFFEF7, lr;
	s5 =	simm.s32 $0xFFFFFFFF;
	p2 =	slt.u32 s8, $0xFFFFF086  }
0x1c: {  	p1 =	slt.u32 s9, $0xF7A;
	s5 =	simm.s32 @!p2 $0x0  }
0x1d: {  	s5 =	simm.s32 @p1 $0x1;
	p0 =	seq.s32 s7, s2  }
0x1e: {  	s7 =	smul.u32 @!p0 $0xF7A, s2;
	p2 =	seq.s32 @!p0 s5, $0x0  }
0x1f: {  	s9 =	smul.u32 $0xF7A, s1;
	s8 =	simm.s32 @!p0 $0x1BF5;
	p2 =	por !p2, p0  }
0x20: {  	[sflag:s8] =	ssyncset.s32 @!p0 $0xFFFFF086;
	s6 =	sadd.s32 @!p0 s3, s7;
	s7 =	simm.s32 @!p0 $0x108  }
0x21: {  	s3 =	sadd.s32 s3, s9;
	s6 =	sadd.s32 @!p0 $0x88, s6;
	s7 =	simm.s32 @p2 $0x1082  }
0x22: {  	[simem:s7], [sflag:s8] =	dma.local @!p0 [hbm:s6], $0xF7A  }
0x23: {  	s9 =	sor.u32 $0xD0000000, s2;
	s6 =	simm.s32 $0x108;
	_ =	swait.ge @!p0 [sflag:s8], $0x0  }
0x24: {  	s3 =	sadd.s32 $0x88, s3;
	s6 =	simm.s32 @!p1 $0x1082;
	[sflag:s4] =	ssyncset.s32 $0xFFFFF086  }
0x25: {  	[simem:s6], [sflag:s4] =	dma.local [hbm:s3], $0xF7A  }
0x26: {  	[smem:$0x3F9F] =	sst s1;
	(tag) =	ssettag s2;
	_ =	strace s9  }
0x27: {  	s1 =	sld [smem:$0x3FAF]  }
0x28: {  	s2 =	sld [smem:$0x3FB0]  }
0x29: {  	s4 =	sld [smem:$0x3FB2]  }
0x2a: {  	p0 =	seq.s32 s5, $0x0;
	s5 =	sld [smem:$0x3FB3]  }
0x2b: {  	s6 =	sld [smem:$0x3FB4]  }
0x2c: {  	s7 =	sld [smem:$0x3FB5]  }
0x2d: {  	s3 =	simm.s32 $0x108;
	s8 =	sld [smem:$0x3FB6]  }
0x2e: {  	s3 =	simm.s32 @!p0 $0x1082;
	s9 =	sld [smem:$0x3FB7]  }
0x2f: {  	lr =	sadd.s32 s0, s3;
	s0 =	sld [smem:$0x3FAE]  }
0x30: {  	s3 =	sld [smem:$0x3FB1]  }
0x31: {  	[smem:$0x3FBA] =	sst s10  }
0x32: {  	s10 =	sld [smem:$0x3FB8];
	_ =	sdelay $0x3  }
0x33: {  	p0 =	seq.s32 s10, $0x1;
	s10 =	sld [smem:$0x3FBA];
	_ =	sdelay $0x3  }
0x34: {  	[smem:$0x3FBA] =	sst s10  }
0x35: {  	s10 =	sld [smem:$0x3FB9];
	_ =	sdelay $0x3  }
0x36: {  	p1 =	seq.s32 s10, $0x1;
	s10 =	sld [smem:$0x3FBA];
	_ =	sdelay $0x3  }
0x37: {  	[smem:$0x3FBA] =	sst s10  }
0x38: {  	s10 =	sld [smem:$0x3FBB]  }
0x39: {  	_ = 	snop;
	(pc) =	sbr.ind lr, $3  }
0x3a: {  	_ = 	snop  }
0x3b: {  	_ = 	snop  }
0x3c: {  	p2 =	seq.s32 s10, $0x1;
	s10 =	sld [smem:$0x3FBA]  }
0x3d: {  	_ =	shalt  }
0x3e: {  	_ =	shalt  }
0x3f: {  	_ =	shalt  }
0x40: {  	_ =	shalt  }
0x41: {  	_ =	shalt  }
0x42: {  	_ =	shalt  }
0x43: {  	_ =	shalt  }
0x44: {  	_ =	shalt  }
0x45: {  	_ =	shalt  }
0x46: {  	_ =	shalt  }
0x47: {  	_ =	shalt  }
0x48: {  	_ =	shalt  }
0x49: {  	_ =	shalt  }
0x4a: {  	_ =	shalt  }
0x4b: {  	_ =	shalt  }
0x4c: {  	_ =	shalt  }
0x4d: {  	_ =	shalt  }
0x4e: {  	_ =	shalt  }
0x4f: {  	_ =	shalt  }
0x50: {  	_ =	shalt  }
0x51: {  	_ =	shalt  }
0x52: {  	_ =	shalt  }
0x53: {  	_ =	shalt  }
0x54: {  	_ =	shalt  }
0x55: {  	_ =	shalt  }
0x56: {  	_ =	shalt  }
0x57: {  	_ =	shalt  }
0x58: {  	_ =	shalt  }
0x59: {  	_ =	shalt  }
0x5a: {  	_ =	shalt  }
0x5b: {  	_ =	shalt  }
0x5c: {  	_ =	shalt  }
0x5d: {  	_ =	shalt  }
0x5e: {  	_ =	shalt  }
0x5f: {  	_ =	shalt  }
0x60: {  	_ =	shalt  }
0x61: {  	_ =	shalt  }
0x62: {  	_ =	shalt  }
0x63: {  	_ =	shalt  }
0x64: {  	_ =	shalt  }
0x65: {  	_ =	shalt  }
0x66: {  	_ =	shalt  }
0x67: {  	_ =	shalt  }
0x68: {  	_ =	shalt  }
0x69: {  	_ =	shalt  }
0x6a: {  	_ =	shalt  }
0x6b: {  	_ =	shalt  }
0x6c: {  	_ =	shalt  }
0x6d: {  	_ =	shalt  }
0x6e: {  	_ =	shalt  }
0x6f: {  	_ =	shalt  }
0x70: {  	_ =	shalt  }
0x71: {  	_ =	shalt  }
0x72: {  	_ =	shalt  }
0x73: {  	_ =	shalt  }
0x74: {  	_ =	shalt  }
0x75: {  	_ =	shalt  }
0x76: {  	_ =	shalt  }
0x77: {  	_ =	shalt  }
0x78: {  	_ =	shalt  }
0x79: {  	_ =	shalt  }
0x7a: {  	_ =	shalt  }
0x7b: {  	_ =	shalt  }
0x7c: {  	_ =	shalt  }
0x7d: {  	_ =	shalt  }
0x7e: {  	_ =	shalt  }
0x7f: {  	_ =	shalt  }
0x80: {  	_ =	shalt  }
0x81: {  	_ =	shalt  }
0x82: {  	_ =	shalt  }
0x83: {  	_ =	shalt  }
0x84: {  	_ =	shalt  }
0x85: {  	_ =	shalt  }
0x86: {  	_ =	shalt  }
0x87: {  	_ =	shalt  }
.Lfunc_end0:
.L_simem_size_0:
called_computation_lowered:
.L_overlay_start_0:
0x88: {  	s2 =	sld [smem:$0x3FD9]  }
0x89: {  	s3 =	sld [smem:$0x3FFE];
	_ =	sdelay $0x1  }
0x8a: {  	s1 =	srdreg.scid  }
0x8b: {  	s0 =	sand.u32 $0x1, s1  }
0x8c: {  	s16 =	sshll.u32 s0, $0xA;
	s2 =	sadd.s32 s3, s2  }
0x8d: {  	s2 =	sadd.s32 s2, s16  }
0x8e: {  	[smem:$0x3FC6] =	sst s2  }
0x8f: {  	_ = 	snop  }
0x90: {  	(tm) =	ssettm $0x1  }
0x91: {  	s17 =	sld [smem:$0x3FFB];
	_ =	sdelay $0x3  }
0x92: {  	_ =	strace s17  }
0x93: {  	s2 =	sld [smem:$0x3FFC];
	_ =	sdelay $0x3  }
0x94: {  	_ =	strace s2  }
0x95: {  	s2 =	sld [smem:$0x3FFD];
	_ =	sdelay $0x3  }
0x96: {  	_ =	strace s2  }
0x97: {  	_ =	strace $0x8FFFFFFF  }
0x98: {  	s18 =	sld [smem:$0x3FDB];
	_ =	sdelay $0x1  }
0x99: {  	s19 =	simm.s32 $_scs_section_size  }
0x9a: {  	s4 =	simm.s32 $_size__tile_overlayer_lowered;
	s5 =	simm.s32 $_tile_overlayer_lowered  }
0x9b: {  	s22 =	simm.s32 $0x1BFF;
	s21 =	sshll.u32 s5, $0x1;
	s2 =	sadd.s32 s19, s18  }
0x9c: {  	s6 =	simm.s32 $0x0;
	s20 =	sshll.u32 s4, $0x1;
	s4 =	sadd.s32 s21, s2  }
0x9d: {  	[timem:s6], [sflag:s22] =	dma.local [hbm:s4], s20  }
0x9e: {  	_ =	swait.ge [sflag:s22], s20  }
0x9f: {  	s3 =	ssub.s32 $0x0, s20;
	[sflag:s22] =	ssyncset.done $0x0  }
0xa0: {  	[sflag:s22] =	ssyncadd.s32 s3;
	_ =	sdelay $0x1  }
0xa1: {  	s23 =	simm.s32 $0x1B8B  }
0xa2: {  	_ =	swait.ge [sflag:s23], $0x1  }
0xa3: {  	[sflag:s23] =	ssyncset.done $0x0  }
0xa4: {  	s25 =	simm.s32 $0x1B8E;
	s24 =	sld [smem:$0x3FFE];
	[sflag:s23] =	ssyncadd.s32 $0xFFFFFFFF  }
0xa5: {  	s26 =	simm.s32 $execute0_lowered;
	[smem:$0x3FD2] =	sst s25  }
0xa6: {  	s4 =	sshll.u32 s26, $0x1;
	_ =	strace $0x80000046;
	[dreg:$0x1] =	wrdreg $0xFFFFFFFF  }
0xa7: {  	s28 =	simm.s32 $_size_execute0_lowered;
	s2 =	sadd.s32 s2, s4;
	[dreg:$0x0] =	wrdreg $0x0  }
0xa8: {  	s4 =	sshll.u32 s28, $0x1;
	[dreg:$0x2] =	wrdreg s2  }
0xa9: {  	[dreg:$0x3] =	wrdreg s4  }
0xaa: {  	[dreg:$0x4] =	wrdreg $0xC0  }
0xab: {  	_ =	task [dreg:s6], $0x5FFFF  }
0xac: {  	[dreg:$0x1] =	wrdreg $0xFFFFFFFF  }
0xad: {  	[dreg:$0x0] =	wrdreg $0x60  }
0xae: {  	[dreg:$0x2] =	wrdreg s24  }
0xaf: {  	[dreg:$0x3] =	wrdreg $0x9  }
0xb0: {  	_ =	task.clear_ibuf [dreg:s6], $0x4FFFF;
	_ =	strace $0x90000046  }
0xb1: {  	s29 =	simm.s32 $0x9;
	_ =	strace $0x80000048  }
0xb2: {  	_ =	swait.ge [sflag:s29], $0x1  }
0xb3: {  	[sflag:s29] =	ssyncadd.s32 $0xFFFFFFFF  }
0xb4: {  	_ =	strace $0x90000048  }
0xb5: {  	_ =	sfence  }
0xb6: {  	s30 =	sld [smem:$0x0];
	_ =	sdelay $0x2  }
0xb7: {  	s31 =	sshll.u32 s1, $0xD;
	s1 =	sshrl.u32 s1, $0x2  }
0xb8: {  	s3 =	sand.u32 $0x4000, s31;
	s1 =	sadd.s32 s1, s30  }
0xb9: {  	s0 =	sor.u32 s3, s0;
	s1 =	sshll.u32 s1, $0x11  }
0xba: {  	s0 =	sor.u32 s1, s0  }
0xbb: {  	s0 =	sadd.s32 $0x8F2B, s0  }
0xbc: {  	[sflag:s0] =	ssyncadd.remote.s32 $0x1  }
0xbd: {  	_ =	sfence.sel $0xFFFF  }
0xbe: {  	[dreg:$0x0] =	wrdreg $0xFFFFFFFF;
	(pc) =	sbr.abs _section_cstart, $3  }
0xbf: {  	[dreg:$0x1] =	wrdreg $0xFFFFFFFF  }
0xc0: {  	_ =	task.clear_ibuf [dreg:s6], $0x2FFFF;
	_ =	strace $0x9FFFFFFF  }
0xc1: {  	(tm) =	ssettm $0x7FFFFFFF  }
tec
execute0_lowered:
.L_overlay_start_1:
0x0: {  	(tag) =	ssettag $0x1  }
0x1: {  	v0 =	vlaneseq.u32;
	v1 =	vimm.s32 $0xF;
	vm13 =	vcmask $0x300  }
0x2: {  	vm14 =	vcmask $0x704;
	vm12 =	vcmask $0xB08;
	vm11 =	vcmask $0xF0C  }
0x3: {  	vm10 =	vcmask $0x1310;
	vm9 =	vcmask $0x1714;
	vm7 =	vcmask $0x1B18  }
0x4: {  	vm5 =	vcmask $0x1F1C;
	v8 =	vimm.s32 $0x40F;
	v9 =	vimm.s32 $0x80F  }
0x5: {  	vm0 =	vcmask $0x2320;
	vm1 =	vcmask $0x2724;
	vm2 =	vcmask $0x2B28  }
0x6: {  	vm3 =	vcmask $0x2F2C;
	vm4 =	vcmask $0x3330;
	vm6 =	vcmask $0x3734  }
0x7: {  	vm8 =	vcmask $0x3B38;
	v10 =	vimm.s32 $0xC0F;
	v11 =	vimm.s32 $0x100F  }
0x8: {  	v12 =	vimm.s32 $0x140F;
	v13 =	vimm.s32 $0x180F;
	v14 =	vimm.s32 $0x1C0F  }
0x9: {  	v15 =	vimm.s32 $0x200F;
	v16 =	vimm.s32 $0x240F;
	v17 =	vimm.s32 $0x280F  }
0xa: {  	v18 =	vimm.s32 $0x2C0F;
	v19 =	vimm.s32 $0x300F;
	v20 =	vimm.s32 $0x340F  }
0xb: {  	v21 =	vimm.s32 $0x380F;
	v22 =	vimm.s32 $0x1;
	v0 =	vmul.u32 $0x401, v0  }
0xc: {  	v2 =	vsel vm13, $0x1800, v1;
	v1 =	vimm.s32 $0x0;
	v8 =	vsel vm13, $0x1C00, v8  }
0xd: {  	v9 =	vsel vm13, $0x2000, v9;
	v10 =	vsel vm13, $0x2400, v10;
	v11 =	vsel vm13, $0x2800, v11  }
0xe: {  	v12 =	vsel vm13, $0x2C00, v12;
	v13 =	vsel vm13, $0x3000, v13;
	v14 =	vsel vm13, $0x3400, v14  }
0xf: {  	v15 =	vsel vm13, $0x3800, v15;
	v16 =	vsel vm13, $0x3C00, v16;
	v17 =	vsel vm13, $0x4000, v17  }
0x10: {  	v18 =	vsel vm13, $0x4400, v18;
	v19 =	vsel vm13, $0x4800, v19;
	v20 =	vsel vm13, $0x4C00, v20  }
0x11: {  	v21 =	vsel vm13, $0x5000, v21;
	v3 =	vsel vm14, $0x1C01, v2;
	v8 =	vsel vm14, $0x2001, v8  }
0x12: {  	v9 =	vsel vm14, $0x2401, v9;
	v10 =	vsel vm14, $0x2801, v10;
	v11 =	vsel vm14, $0x2C01, v11  }
0x13: {  	v12 =	vsel vm14, $0x3001, v12;
	v13 =	vsel vm14, $0x3401, v13;
	v14 =	vsel vm14, $0x3801, v14  }
0x14: {  	v15 =	vsel vm14, $0x3C01, v15;
	v16 =	vsel vm14, $0x4001, v16;
	v17 =	vsel vm14, $0x4401, v17  }
0x15: {  	v18 =	vsel vm14, $0x4801, v18;
	v19 =	vsel vm14, $0x4C01, v19;
	v20 =	vsel vm14, $0x5001, v20  }
0x16: {  	v21 =	vsel vm14, $0x1, v21;
	v2 =	vadd.s32 $0x400, v0;
	v4 =	vsel vm12, $0x2002, v3  }
0x17: {  	v3 =	vadd.s32 $0x800, v0;
	v8 =	vsel vm12, $0x2402, v8;
	v9 =	vsel vm12, $0x2802, v9  }
0x18: {  	v10 =	vsel vm12, $0x2C02, v10;
	v11 =	vsel vm12, $0x3002, v11;
	v12 =	vsel vm12, $0x3402, v12  }
0x19: {  	v13 =	vsel vm12, $0x3802, v13;
	v14 =	vsel vm12, $0x3C02, v14;
	v15 =	vsel vm12, $0x4002, v15  }
0x1a: {  	v16 =	vsel vm12, $0x4402, v16;
	v17 =	vsel vm12, $0x4802, v17;
	v18 =	vsel vm12, $0x4C02, v18  }
0x1b: {  	v19 =	vsel vm12, $0x5002, v19;
	v20 =	vsel vm12, $0x2, v20;
	v21 =	vsel vm12, $0x402, v21  }
0x1c: {  	v5 =	vsel vm11, $0x2403, v4;
	v4 =	vadd.s32 $0xC00, v0;
	v8 =	vsel vm11, $0x2803, v8  }
0x1d: {  	v9 =	vsel vm11, $0x2C03, v9;
	v10 =	vsel vm11, $0x3003, v10;
	v11 =	vsel vm11, $0x3403, v11  }
0x1e: {  	v12 =	vsel vm11, $0x3803, v12;
	v13 =	vsel vm11, $0x3C03, v13;
	v14 =	vsel vm11, $0x4003, v14  }
0x1f: {  	v15 =	vsel vm11, $0x4403, v15;
	v16 =	vsel vm11, $0x4803, v16;
	v17 =	vsel vm11, $0x4C03, v17  }
0x20: {  	v18 =	vsel vm11, $0x5003, v18;
	v19 =	vsel vm11, $0x3, v19;
	v20 =	vsel vm11, $0x403, v20  }
0x21: {  	v21 =	vsel vm11, $0x803, v21;
	v6 =	vsel vm10, $0x2804, v5;
	v5 =	vadd.s32 $0x1000, v0  }
0x22: {  	v8 =	vsel vm10, $0x2C04, v8;
	v9 =	vsel vm10, $0x3004, v9;
	v10 =	vsel vm10, $0x3404, v10  }
0x23: {  	v11 =	vsel vm10, $0x3804, v11;
	v12 =	vsel vm10, $0x3C04, v12;
	v13 =	vsel vm10, $0x4004, v13  }
0x24: {  	v14 =	vsel vm10, $0x4404, v14;
	v15 =	vsel vm10, $0x4804, v15;
	v16 =	vsel vm10, $0x4C04, v16  }
0x25: {  	v17 =	vsel vm10, $0x5004, v17;
	v18 =	vsel vm10, $0x4, v18;
	v19 =	vsel vm10, $0x404, v19  }
0x26: {  	v20 =	vsel vm10, $0x804, v20;
	v21 =	vsel vm10, $0xC04, v21;
	v7 =	vsel vm9, $0x2C05, v6  }
0x27: {  	v6 =	vadd.s32 $0x1400, v0;
	v8 =	vsel vm9, $0x3005, v8;
	v9 =	vsel vm9, $0x3405, v9  }
0x28: {  	v10 =	vsel vm9, $0x3805, v10;
	v11 =	vsel vm9, $0x3C05, v11;
	v12 =	vsel vm9, $0x4005, v12  }
0x29: {  	v13 =	vsel vm9, $0x4405, v13;
	v14 =	vsel vm9, $0x4805, v14;
	v15 =	vsel vm9, $0x4C05, v15  }
0x2a: {  	v16 =	vsel vm9, $0x5005, v16;
	v17 =	vsel vm9, $0x5, v17;
	v18 =	vsel vm9, $0x405, v18  }
0x2b: {  	v19 =	vsel vm9, $0x805, v19;
	v20 =	vsel vm9, $0xC05, v20;
	v21 =	vsel vm9, $0x1005, v21  }
0x2c: {  	v7 =	vsel vm7, $0x3006, v7;
	v8 =	vsel vm7, $0x3406, v8;
	v9 =	vsel vm7, $0x3806, v9  }
0x2d: {  	v10 =	vsel vm7, $0x3C06, v10;
	v11 =	vsel vm7, $0x4006, v11;
	v12 =	vsel vm7, $0x4406, v12  }
0x2e: {  	v13 =	vsel vm7, $0x4806, v13;
	v14 =	vsel vm7, $0x4C06, v14;
	v15 =	vsel vm7, $0x5006, v15  }
0x2f: {  	v16 =	vsel vm7, $0x6, v16;
	v17 =	vsel vm7, $0x406, v17;
	v18 =	vsel vm7, $0x806, v18  }
0x30: {  	v19 =	vsel vm7, $0xC06, v19;
	v20 =	vsel vm7, $0x1006, v20;
	v21 =	vsel vm7, $0x1406, v21  }
0x31: {  	v7 =	vsel vm5, $0x3407, v7;
	v8 =	vsel vm5, $0x3807, v8;
	v9 =	vsel vm5, $0x3C07, v9  }
0x32: {  	v10 =	vsel vm5, $0x4007, v10;
	v11 =	vsel vm5, $0x4407, v11;
	v12 =	vsel vm5, $0x4807, v12  }
0x33: {  	v13 =	vsel vm5, $0x4C07, v13;
	v14 =	vsel vm5, $0x5007, v14;
	v15 =	vsel vm5, $0x7, v15  }
0x34: {  	v16 =	vsel vm5, $0x407, v16;
	v17 =	vsel vm5, $0x807, v17;
	v18 =	vsel vm5, $0xC07, v18  }
0x35: {  	v19 =	vsel vm5, $0x1007, v19;
	v20 =	vsel vm5, $0x1407, v20;
	v21 =	vsel vm5, $0x1807, v21  }
0x36: {  	v7 =	vsel vm0, $0x3808, v7;
	v8 =	vsel vm0, $0x3C08, v8;
	v9 =	vsel vm0, $0x4008, v9  }
0x37: {  	v10 =	vsel vm0, $0x4408, v10;
	v11 =	vsel vm0, $0x4808, v11;
	v12 =	vsel vm0, $0x4C08, v12  }
0x38: {  	v13 =	vsel vm0, $0x5008, v13;
	v14 =	vsel vm0, $0x8, v14;
	v15 =	vsel vm0, $0x408, v15  }
0x39: {  	v16 =	vsel vm0, $0x808, v16;
	v17 =	vsel vm0, $0xC08, v17;
	v18 =	vsel vm0, $0x1008, v18  }
0x3a: {  	v19 =	vsel vm0, $0x1408, v19;
	v20 =	vsel vm0, $0x1808, v20;
	v21 =	vsel vm0, $0x1C08, v21  }
0x3b: {  	v7 =	vsel vm1, $0x3C09, v7;
	v8 =	vsel vm1, $0x4009, v8;
	v9 =	vsel vm1, $0x4409, v9  }
0x3c: {  	v10 =	vsel vm1, $0x4809, v10;
	v11 =	vsel vm1, $0x4C09, v11;
	v12 =	vsel vm1, $0x5009, v12  }
0x3d: {  	v13 =	vsel vm1, $0x9, v13;
	v14 =	vsel vm1, $0x409, v14;
	v15 =	vsel vm1, $0x809, v15  }
0x3e: {  	v16 =	vsel vm1, $0xC09, v16;
	v17 =	vsel vm1, $0x1009, v17;
	v18 =	vsel vm1, $0x1409, v18  }
0x3f: {  	v19 =	vsel vm1, $0x1809, v19;
	v20 =	vsel vm1, $0x1C09, v20;
	v21 =	vsel vm1, $0x2009, v21  }
0x40: {  	v7 =	vsel vm2, $0x400A, v7;
	v8 =	vsel vm2, $0x440A, v8;
	v9 =	vsel vm2, $0x480A, v9  }
0x41: {  	v10 =	vsel vm2, $0x4C0A, v10;
	v11 =	vsel vm2, $0x500A, v11;
	v12 =	vsel vm2, $0xA, v12  }
0x42: {  	v13 =	vsel vm2, $0x40A, v13;
	v14 =	vsel vm2, $0x80A, v14;
	v15 =	vsel vm2, $0xC0A, v15  }
0x43: {  	v16 =	vsel vm2, $0x100A, v16;
	v17 =	vsel vm2, $0x140A, v17;
	v18 =	vsel vm2, $0x180A, v18  }
0x44: {  	v19 =	vsel vm2, $0x1C0A, v19;
	v20 =	vsel vm2, $0x200A, v20;
	v21 =	vsel vm2, $0x240A, v21  }
0x45: {  	v7 =	vsel vm3, $0x440B, v7;
	v8 =	vsel vm3, $0x480B, v8;
	v9 =	vsel vm3, $0x4C0B, v9  }
0x46: {  	v10 =	vsel vm3, $0x500B, v10;
	v11 =	vsel vm3, $0xB, v11;
	v12 =	vsel vm3, $0x40B, v12  }
0x47: {  	v13 =	vsel vm3, $0x80B, v13;
	v14 =	vsel vm3, $0xC0B, v14;
	v15 =	vsel vm3, $0x100B, v15  }
0x48: {  	v16 =	vsel vm3, $0x140B, v16;
	v17 =	vsel vm3, $0x180B, v17;
	v18 =	vsel vm3, $0x1C0B, v18  }
0x49: {  	v19 =	vsel vm3, $0x200B, v19;
	v20 =	vsel vm3, $0x240B, v20;
	v21 =	vsel vm3, $0x280B, v21  }
0x4a: {  	v7 =	vsel vm4, $0x480C, v7;
	v8 =	vsel vm4, $0x4C0C, v8;
	v9 =	vsel vm4, $0x500C, v9  }
0x4b: {  	v10 =	vsel vm4, $0xC, v10;
	v11 =	vsel vm4, $0x40C, v11;
	v12 =	vsel vm4, $0x80C, v12  }
0x4c: {  	v13 =	vsel vm4, $0xC0C, v13;
	v14 =	vsel vm4, $0x100C, v14;
	v15 =	vsel vm4, $0x140C, v15  }
0x4d: {  	s4 =	rddreg [dreg:$0x0];
	s2 =	srdreg.scid;
	v16 =	vsel vm4, $0x180C, v16;
	v17 =	vsel vm4, $0x1C0C, v17;
	v18 =	vsel vm4, $0x200C, v18  }
0x4e: {  	s0 =	stileid.u32;
	s1 =	rddreg [dreg:$0x1];
	s11 =	simm.s32 $0xA800;
	v19 =	vsel vm4, $0x240C, v19;
	v20 =	vsel vm4, $0x280C, v20;
	v21 =	vsel vm4, $0x2C0C, v21  }
0x4f: {  	s12 =	simm.s32 $0x80;
	s13 =	simm.s32 $0x400;
	s14 =	simm.s32 $0x2;
	v7 =	vsel vm6, $0x4C0D, v7;
	v8 =	vsel vm6, $0x500D, v8;
	v9 =	vsel vm6, $0xD, v9  }
0x50: {  	s15 =	simm.s32 $0x0;
	s3 =	sand.u32 $0x1, s2;
	s5 =	sshll.u32 s0, $0x1;
	v10 =	vsel vm6, $0x40D, v10;
	v11 =	vsel vm6, $0x80D, v11;
	v12 =	vsel vm6, $0xC0D, v12  }
0x51: {  	s2 =	simm.s32 $0x0;
	s6 =	sshrl.u32 s0, $0x2;
	s5 =	sor.u32 s3, s5;
	v13 =	vsel vm6, $0x100D, v13;
	v14 =	vsel vm6, $0x140D, v14;
	v15 =	vsel vm6, $0x180D, v15  }
0x52: {  	[smem:$0x7FF] =	sst s2;
	s6 =	smul.u32 $0x54000, s6;
	s28 =	ssub.s32 $0x2, s3;
	v16 =	vsel vm6, $0x1C0D, v16;
	v17 =	vsel vm6, $0x200D, v17;
	v18 =	vsel vm6, $0x240D, v18  }
0x53: {  	s3 =	sadd.s32 $0x600, s4;
	s7 =	sshll.u32 s5, $0x7;
	s8 =	smul.u32 $0x54000, s5;
	v19 =	vsel vm6, $0x280D, v19;
	v20 =	vsel vm6, $0x2C0D, v20;
	v21 =	vsel vm6, $0x300D, v21  }
0x54: {  	_ =	strace $0x80000047;
	s30 =	sshrl.u32 s28, $0x1;
	s7 =	sand.u32 $0x380, s7;
	v7 =	vsel vm8, $0x500E, v7;
	v8 =	vsel vm8, $0xE, v8;
	v9 =	vsel vm8, $0x40E, v9  }
0x55: {  	s10 =	ssub.s32 s28, s30;
	s6 =	sor.u32 s6, s7;
	s31 =	sshrl.u32 s8, $0x3;
	v10 =	vsel vm8, $0x80E, v10;
	v11 =	vsel vm8, $0xC0E, v11;
	v12 =	vsel vm8, $0x100E, v12  }
0x56: {  	s5 =	sadd.s32 $0x5400, s8;
	s29 =	sshrl.u32 s6, $0x3;
	s6 =	sadd.s32 $0xA800, s8;
	v13 =	vsel vm8, $0x140E, v13;
	v14 =	vsel vm8, $0x180E, v14;
	v15 =	vsel vm8, $0x1C0E, v15  }
0x57: {  	s8 =	smax.u32 s10, $0x1;
	s10 =	simm.s32 $0x1;
	s9 =	sadd.s32 s29, s4;
	v16 =	vsel vm8, $0x200E, v16;
	v17 =	vsel vm8, $0x240E, v17;
	v18 =	vsel vm8, $0x280E, v18  }
0x58: {  	s4 =	sadd.s32 s3, s31;
	s7 =	sadd.s32 $0x150600, s9;
	s9 =	simm.s32 $0x5400;
	v19 =	vsel vm8, $0x2C0E, v19;
	v20 =	vsel vm8, $0x300E, v20;
	v21 =	vsel vm8, $0x340E, v21  }
.LBB2_1:
0x59: {  	s16 =	simm.s32 $0x40;
	s17 =	simm.s32 $0x0  }
.LBB2_2:
0x5a: {  	p0 =	sne.s32 s16, $0x29FC0;
	[tilespmem:s17+$0xA800] =	vst v1;
	s17 =	smov.u32 s16;
	s16 =	sadd.s32 $0x40, s16  }
.Ltmp0:
0x5b: {  	(pc) =	sbr.rel @p0 .LBB2_2-.Ltmp0, $2  }
0x5c: {  	_ =	sdelay $0x2  }
0x5d: {  	s17 =	sshra.s32 s17, $0x2  }
0x5e: {  	[tilespmem:s17+$0xA800] =	vst v1;
	s16 =	simm.s32 $0x0;
	s17 =	simm.s32 $0x0  }
0x5f: {  	[tilespmem:s16], [sflag:$0x1] =	stream.linear.gather [hbm4b:s4+s16], $0x5400, $0x38;
	[tilespmem:$0x15000] =	vst v63  }
.LBB2_4:
0x60: {  	s18 =	smul.u32 $0xA800, s17;
	_ =	sdelay $0x1  }
0x61: {  	s18 =	sadd.s32 s18, s5  }
0x62: {  	s18 =	sshrl.u32 s18, $0x3  }
0x63: {  	v23 =	vor.u32 s16, v21;
	s18 =	sadd.s32 s3, s18  }
0x64: {  	v24 =	vor.u32 s16, v18;
	[tilespmem:s9], [sflag:$0x1] =	stream.linear.gather [hbm4b:s18+s16], $0x5400, $0x38;
	[tilespmem:$0x15000] =	vst v63  }
0x65: {  	v25 =	vor.u32 s16, v11;
	_ =	swait.ge [sflag:s10], $0x5400  }
0x66: {  	v26 =	vor.u32 s16, v19;
	[sflag:s10] =	ssyncset.done $0x0  }
0x67: {  	v27 =	vor.u32 s16, v6;
	[sflag:s10] =	ssyncadd.s32 $0xFFFFAC00  }
0x68: {  	v28 =	vor.u32 s16, v4;
	v29 =	vld.idx.msk [tilespmem:v23+s2+$0x0], $0xffff  }
0x69: {  	v30 =	vor.u32 s16, v17;
	v24 =	vld.idx.msk [tilespmem:v24+s2+$0x0], $0xffff  }
0x6a: {  	v31 =	vor.u32 s16, v5;
	v25 =	vld.idx.msk [tilespmem:v25+s2+$0x0], $0xffff  }
0x6b: {  	v32 =	vor.u32 s16, v15;
	v26 =	vld.idx.msk [tilespmem:v26+s2+$0x0], $0xffff  }
0x6c: {  	v33 =	vor.u32 s16, v14;
	v27 =	vld.idx.msk [tilespmem:v27+s2+$0x0], $0xffff  }
0x6d: {  	v34 =	vor.u32 s16, v13;
	v28 =	vld.idx.msk [tilespmem:v28+s2+$0x0], $0xffff  }
0x6e: {  	v23 =	vor.u32 s16, v0;
	v30 =	vld.idx.msk [tilespmem:v30+s2+$0x0], $0xffff  }
0x6f: {  	v35 =	vor.u32 s16, v2;
	v31 =	vld.idx.msk [tilespmem:v31+s2+$0x0], $0xffff  }
0x70: {  	v36 =	vor.u32 s16, v3;
	v32 =	vld.idx.msk [tilespmem:v32+s2+$0x0], $0xffff  }
0x71: {  	v37 =	vor.u32 s16, v12;
	v33 =	vld.idx.msk [tilespmem:v33+s2+$0x0], $0xffff  }
0x72: {  	v38 =	vor.u32 s16, v7;
	v34 =	vld.idx.msk [tilespmem:v34+s2+$0x0], $0xffff  }
0x73: {  	v39 =	vor.u32 s16, v8;
	v23 =	vld.idx.msk [tilespmem:v23+s2+$0x0], $0xffff  }
0x74: {  	v40 =	vor.u32 s16, v20;
	v35 =	vld.idx.msk [tilespmem:v35+s2+$0x0], $0xffff  }
0x75: {  	v41 =	vor.u32 s16, v10;
	v36 =	vld.idx.msk [tilespmem:v36+s2+$0x0], $0xffff  }
0x76: {  	v42 =	vor.u32 s16, v16;
	v37 =	vld.idx.msk [tilespmem:v37+s2+$0x0], $0xffff  }
0x77: {  	v43 =	vor.u32 s16, v9;
	v38 =	vld.idx.msk [tilespmem:v38+s2+$0x0], $0xffff  }
0x78: {  	v39 =	vld.idx.msk [tilespmem:v39+s2+$0x0], $0xffff;
	v44 =	vand.u32 $0xFFFF, v23  }
0x79: {  	v40 =	vld.idx.msk [tilespmem:v40+s2+$0x0], $0xffff;
	v23 =	vshrl.u32 v23, $0x10  }
0x7a: {  	v41 =	vld.idx.msk [tilespmem:v41+s2+$0x0], $0xffff;
	v45 =	vand.u32 $0xFFFF, v35  }
0x7b: {  	v42 =	vld.idx.msk [tilespmem:v42+s2+$0x0], $0xffff;
	v35 =	vshrl.u32 v35, $0x10  }
0x7c: {  	v43 =	vld.idx.msk [tilespmem:v43+s2+$0x0], $0xffff;
	v46 =	vand.u32 $0xFFFF, v36  }
0x7d: {  	v36 =	vshrl.u32 v36, $0x10;
	[tilespmem:v44+s11+$0x0] =	vst.idx.add.s32.msk $0xffff, v22  }
0x7e: {  	v59 =	vand.u32 $0xFFFF, v28;
	[tilespmem:v23+s11+$0x0] =	vst.idx.add.s32.msk $0xffff, v22  }
0x7f: {  	v23 =	vshrl.u32 v28, $0x10;
	[tilespmem:v45+s11+$0x0] =	vst.idx.add.s32.msk $0xffff, v22  }
0x80: {  	v28 =	vand.u32 $0xFFFF, v31;
	[tilespmem:v35+s11+$0x0] =	vst.idx.add.s32.msk $0xffff, v22  }
0x81: {  	v31 =	vshrl.u32 v31, $0x10;
	[tilespmem:v46+s11+$0x0] =	vst.idx.add.s32.msk $0xffff, v22  }
0x82: {  	v60 =	vand.u32 $0xFFFF, v27;
	[tilespmem:v36+s11+$0x0] =	vst.idx.add.s32.msk $0xffff, v22  }
0x83: {  	v27 =	vshrl.u32 v27, $0x10;
	[tilespmem:v59+s11+$0x0] =	vst.idx.add.s32.msk $0xffff, v22  }
0x84: {  	v61 =	vand.u32 $0xFFFF, v38;
	[tilespmem:v23+s11+$0x0] =	vst.idx.add.s32.msk $0xffff, v22  }
0x85: {  	v23 =	vshrl.u32 v38, $0x10;
	[tilespmem:v28+s11+$0x0] =	vst.idx.add.s32.msk $0xffff, v22  }
0x86: {  	v28 =	vand.u32 $0xFFFF, v39;
	[tilespmem:v31+s11+$0x0] =	vst.idx.add.s32.msk $0xffff, v22  }
0x87: {  	v31 =	vshrl.u32 v39, $0x10;
	[tilespmem:v60+s11+$0x0] =	vst.idx.add.s32.msk $0xffff, v22  }
0x88: {  	[tilespmem:v27+s11+$0x0] =	vst.idx.add.s32.msk $0xffff, v22;
	v27 =	vand.u32 $0xFFFF, v43  }
0x89: {  	v62 =	vshrl.u32 v43, $0x10;
	[tilespmem:v61+s11+$0x0] =	vst.idx.add.s32.msk $0xffff, v22  }
0x8a: {  	v63 =	vand.u32 $0xFFFF, v41;
	[tilespmem:v23+s11+$0x0] =	vst.idx.add.s32.msk $0xffff, v22  }
0x8b: {  	v23 =	vshrl.u32 v41, $0x10;
	[tilespmem:v28+s11+$0x0] =	vst.idx.add.s32.msk $0xffff, v22  }
0x8c: {  	v28 =	vand.u32 $0xFFFF, v25;
	[tilespmem:v31+s11+$0x0] =	vst.idx.add.s32.msk $0xffff, v22  }
0x8d: {  	v25 =	vshrl.u32 v25, $0x10;
	[tilespmem:v27+s11+$0x0] =	vst.idx.add.s32.msk $0xffff, v22  }
0x8e: {  	v27 =	vand.u32 $0xFFFF, v37;
	[tilespmem:v62+s11+$0x0] =	vst.idx.add.s32.msk $0xffff, v22  }
0x8f: {  	v31 =	vshrl.u32 v37, $0x10;
	[tilespmem:v63+s11+$0x0] =	vst.idx.add.s32.msk $0xffff, v22  }
0x90: {  	[tilespmem:v23+s11+$0x0] =	vst.idx.add.s32.msk $0xffff, v22;
	v23 =	vand.u32 $0xFFFF, v34  }
0x91: {  	[tilespmem:v28+s11+$0x0] =	vst.idx.add.s32.msk $0xffff, v22;
	v28 =	vshrl.u32 v34, $0x10  }
0x92: {  	[tilespmem:v25+s11+$0x0] =	vst.idx.add.s32.msk $0xffff, v22;
	v25 =	vand.u32 $0xFFFF, v33  }
0x93: {  	[tilespmem:v27+s11+$0x0] =	vst.idx.add.s32.msk $0xffff, v22;
	v27 =	vshrl.u32 v33, $0x10  }
0x94: {  	[tilespmem:v31+s11+$0x0] =	vst.idx.add.s32.msk $0xffff, v22;
	v31 =	vand.u32 $0xFFFF, v32  }
0x95: {  	[tilespmem:v23+s11+$0x0] =	vst.idx.add.s32.msk $0xffff, v22;
	v23 =	vshrl.u32 v32, $0x10  }
0x96: {  	[tilespmem:v28+s11+$0x0] =	vst.idx.add.s32.msk $0xffff, v22;
	v28 =	vand.u32 $0xFFFF, v42  }
0x97: {  	[tilespmem:v25+s11+$0x0] =	vst.idx.add.s32.msk $0xffff, v22;
	v25 =	vshrl.u32 v42, $0x10  }
0x98: {  	[tilespmem:v27+s11+$0x0] =	vst.idx.add.s32.msk $0xffff, v22;
	v27 =	vand.u32 $0xFFFF, v30  }
0x99: {  	v30 =	vshrl.u32 v30, $0x10;
	[tilespmem:v31+s11+$0x0] =	vst.idx.add.s32.msk $0xffff, v22  }
0x9a: {  	v31 =	vand.u32 $0xFFFF, v24;
	[tilespmem:v23+s11+$0x0] =	vst.idx.add.s32.msk $0xffff, v22  }
0x9b: {  	v24 =	vshrl.u32 v24, $0x10;
	[tilespmem:v28+s11+$0x0] =	vst.idx.add.s32.msk $0xffff, v22  }
0x9c: {  	v28 =	vand.u32 $0xFFFF, v26;
	[tilespmem:v25+s11+$0x0] =	vst.idx.add.s32.msk $0xffff, v22  }
0x9d: {  	[tilespmem:v27+s11+$0x0] =	vst.idx.add.s32.msk $0xffff, v22;
	v27 =	vshrl.u32 v26, $0x10  }
0x9e: {  	v26 =	vand.u32 $0xFFFF, v40;
	[tilespmem:v30+s11+$0x0] =	vst.idx.add.s32.msk $0xffff, v22  }
0x9f: {  	v25 =	vshrl.u32 v40, $0x10;
	[tilespmem:v31+s11+$0x0] =	vst.idx.add.s32.msk $0xffff, v22  }
0xa0: {  	s18 =	simm.s32 $0x10;
	v23 =	vshrl.u32 v29, $0x10;
	[tilespmem:v24+s11+$0x0] =	vst.idx.add.s32.msk $0xffff, v22;
	v24 =	vand.u32 $0xFFFF, v29  }
.LBB2_5:
0xa1: {  	v29 =	vor.u32 s18, v0;
	v30 =	vor.u32 s18, v4;
	v31 =	vor.u32 s18, v12;
	p0 =	sne.s32 s18, $0x3F0;
	[tilespmem:v28+s11+$0x0] =	vst.idx.add.s32.msk $0xffff, v22;
	s19 =	smov.u32 s18;
	s18 =	sadd.s32 $0x10, s18  }
0xa2: {  	v28 =	vor.u32 s19, v11;
	v32 =	vor.u32 s19, v13;
	v33 =	vor.u32 s19, v21;
	[tilespmem:v27+s11+$0x0] =	vst.idx.add.s32.msk $0xffff, v22  }
0xa3: {  	v27 =	vor.u32 s19, v2;
	v34 =	vor.u32 s19, v14;
	v35 =	vor.u32 s19, v18;
	[tilespmem:v26+s11+$0x0] =	vst.idx.add.s32.msk $0xffff, v22  }
0xa4: {  	v36 =	vor.u32 s19, v10;
	v37 =	vor.u32 s19, v15;
	v38 =	vor.u32 s19, v19;
	[tilespmem:v25+s11+$0x0] =	vst.idx.add.s32.msk $0xffff, v22  }
0xa5: {  	v39 =	vor.u32 s19, v3;
	v40 =	vor.u32 s19, v6;
	v41 =	vor.u32 s19, v8;
	[tilespmem:v24+s11+$0x0] =	vst.idx.add.s32.msk $0xffff, v22  }
0xa6: {  	v42 =	vor.u32 s19, v5;
	v43 =	vor.u32 s19, v9;
	[tilespmem:v23+s11+$0x0] =	vst.idx.add.s32.msk $0xffff, v22  }
0xa7: {  	v44 =	vor.u32 s19, v17;
	v24 =	vld.idx.msk [tilespmem:v33+s2+$0x0], $0xffff  }
0xa8: {  	v26 =	vld.idx.msk [tilespmem:v35+s2+$0x0], $0xffff  }
0xa9: {  	v28 =	vld.idx.msk [tilespmem:v28+s2+$0x0], $0xffff  }
0xaa: {  	v25 =	vld.idx.msk [tilespmem:v38+s2+$0x0], $0xffff  }
0xab: {  	v33 =	vld.idx.msk [tilespmem:v40+s2+$0x0], $0xffff  }
0xac: {  	v30 =	vld.idx.msk [tilespmem:v30+s2+$0x0], $0xffff  }
0xad: {  	v23 =	vshrl.u32 v24, $0x10;
	v29 =	vld.idx.msk [tilespmem:v29+s2+$0x0], $0xffff  }
0xae: {  	v35 =	vld.idx.msk [tilespmem:v44+s2+$0x0], $0xffff  }
0xaf: {  	v38 =	vld.idx.msk [tilespmem:v42+s2+$0x0], $0xffff  }
0xb0: {  	v37 =	vld.idx.msk [tilespmem:v37+s2+$0x0], $0xffff  }
0xb1: {  	v40 =	vor.u32 s19, v7;
	v34 =	vld.idx.msk [tilespmem:v34+s2+$0x0], $0xffff  }
0xb2: {  	v42 =	vand.u32 $0xFFFF, v30;
	v32 =	vld.idx.msk [tilespmem:v32+s2+$0x0], $0xffff  }
0xb3: {  	v44 =	vor.u32 s19, v20;
	v30 =	vshrl.u32 v30, $0x10;
	v27 =	vld.idx.msk [tilespmem:v27+s2+$0x0], $0xffff  }
0xb4: {  	v39 =	vld.idx.msk [tilespmem:v39+s2+$0x0], $0xffff  }
0xb5: {  	v45 =	vor.u32 s19, v16;
	v46 =	vand.u32 $0xFFFF, v29;
	v31 =	vld.idx.msk [tilespmem:v31+s2+$0x0], $0xffff  }
0xb6: {  	v29 =	vshrl.u32 v29, $0x10;
	v40 =	vld.idx.msk [tilespmem:v40+s2+$0x0], $0xffff  }
0xb7: {  	v41 =	vld.idx.msk [tilespmem:v41+s2+$0x0], $0xffff  }
0xb8: {  	v44 =	vld.idx.msk [tilespmem:v44+s2+$0x0], $0xffff  }
0xb9: {  	v47 =	vand.u32 $0xFFFF, v27;
	v27 =	vshrl.u32 v27, $0x10;
	v36 =	vld.idx.msk [tilespmem:v36+s2+$0x0], $0xffff  }
0xba: {  	v45 =	vld.idx.msk [tilespmem:v45+s2+$0x0], $0xffff  }
0xbb: {  	v48 =	vand.u32 $0xFFFF, v39;
	v43 =	vld.idx.msk [tilespmem:v43+s2+$0x0], $0xffff  }
0xbc: {  	v39 =	vshrl.u32 v39, $0x10;
	[tilespmem:v46+s11+$0x0] =	vst.idx.add.s32.msk $0xffff, v22  }
0xbd: {  	[tilespmem:v29+s11+$0x0] =	vst.idx.add.s32.msk $0xffff, v22;
	v29 =	vand.u32 $0xFFFF, v38  }
0xbe: {  	[tilespmem:v47+s11+$0x0] =	vst.idx.add.s32.msk $0xffff, v22  }
0xbf: {  	[tilespmem:v27+s11+$0x0] =	vst.idx.add.s32.msk $0xffff, v22;
	v27 =	vand.u32 $0xFFFF, v40  }
0xc0: {  	v38 =	vshrl.u32 v38, $0x10;
	v40 =	vshrl.u32 v40, $0x10;
	[tilespmem:v48+s11+$0x0] =	vst.idx.add.s32.msk $0xffff, v22  }
0xc1: {  	v46 =	vand.u32 $0xFFFF, v41;
	[tilespmem:v39+s11+$0x0] =	vst.idx.add.s32.msk $0xffff, v22;
	v39 =	vand.u32 $0xFFFF, v33  }
0xc2: {  	v41 =	vshrl.u32 v41, $0x10;
	v33 =	vshrl.u32 v33, $0x10;
	[tilespmem:v42+s11+$0x0] =	vst.idx.add.s32.msk $0xffff, v22  }
0xc3: {  	[tilespmem:v30+s11+$0x0] =	vst.idx.add.s32.msk $0xffff, v22  }
0xc4: {  	[tilespmem:v29+s11+$0x0] =	vst.idx.add.s32.msk $0xffff, v22  }
0xc5: {  	[tilespmem:v38+s11+$0x0] =	vst.idx.add.s32.msk $0xffff, v22  }
0xc6: {  	[tilespmem:v39+s11+$0x0] =	vst.idx.add.s32.msk $0xffff, v22  }
0xc7: {  	v30 =	vand.u32 $0xFFFF, v36;
	v29 =	vand.u32 $0xFFFF, v43;
	[tilespmem:v33+s11+$0x0] =	vst.idx.add.s32.msk $0xffff, v22  }
0xc8: {  	[tilespmem:v27+s11+$0x0] =	vst.idx.add.s32.msk $0xffff, v22;
	v27 =	vshrl.u32 v43, $0x10  }
0xc9: {  	[tilespmem:v40+s11+$0x0] =	vst.idx.add.s32.msk $0xffff, v22  }
0xca: {  	v33 =	vshrl.u32 v36, $0x10;
	[tilespmem:v46+s11+$0x0] =	vst.idx.add.s32.msk $0xffff, v22  }
0xcb: {  	v36 =	vand.u32 $0xFFFF, v28;
	[tilespmem:v41+s11+$0x0] =	vst.idx.add.s32.msk $0xffff, v22  }
0xcc: {  	v28 =	vshrl.u32 v28, $0x10;
	[tilespmem:v29+s11+$0x0] =	vst.idx.add.s32.msk $0xffff, v22  }
0xcd: {  	[tilespmem:v27+s11+$0x0] =	vst.idx.add.s32.msk $0xffff, v22;
	v27 =	vand.u32 $0xFFFF, v31  }
0xce: {  	v29 =	vshrl.u32 v31, $0x10;
	[tilespmem:v30+s11+$0x0] =	vst.idx.add.s32.msk $0xffff, v22  }
0xcf: {  	v30 =	vand.u32 $0xFFFF, v32;
	[tilespmem:v33+s11+$0x0] =	vst.idx.add.s32.msk $0xffff, v22  }
0xd0: {  	v31 =	vshrl.u32 v32, $0x10;
	[tilespmem:v36+s11+$0x0] =	vst.idx.add.s32.msk $0xffff, v22  }
0xd1: {  	[tilespmem:v28+s11+$0x0] =	vst.idx.add.s32.msk $0xffff, v22;
	v28 =	vand.u32 $0xFFFF, v34  }
0xd2: {  	[tilespmem:v27+s11+$0x0] =	vst.idx.add.s32.msk $0xffff, v22;
	v27 =	vshrl.u32 v34, $0x10  }
0xd3: {  	[tilespmem:v29+s11+$0x0] =	vst.idx.add.s32.msk $0xffff, v22;
	v29 =	vand.u32 $0xFFFF, v37  }
0xd4: {  	[tilespmem:v30+s11+$0x0] =	vst.idx.add.s32.msk $0xffff, v22;
	v30 =	vshrl.u32 v37, $0x10  }
0xd5: {  	[tilespmem:v31+s11+$0x0] =	vst.idx.add.s32.msk $0xffff, v22;
	v31 =	vand.u32 $0xFFFF, v45  }
0xd6: {  	[tilespmem:v28+s11+$0x0] =	vst.idx.add.s32.msk $0xffff, v22;
	v28 =	vshrl.u32 v45, $0x10  }
0xd7: {  	[tilespmem:v27+s11+$0x0] =	vst.idx.add.s32.msk $0xffff, v22;
	v27 =	vand.u32 $0xFFFF, v35  }
0xd8: {  	[tilespmem:v29+s11+$0x0] =	vst.idx.add.s32.msk $0xffff, v22;
	v29 =	vshrl.u32 v35, $0x10  }
0xd9: {  	[tilespmem:v30+s11+$0x0] =	vst.idx.add.s32.msk $0xffff, v22;
	v30 =	vand.u32 $0xFFFF, v26  }
0xda: {  	[tilespmem:v31+s11+$0x0] =	vst.idx.add.s32.msk $0xffff, v22;
	v31 =	vshrl.u32 v26, $0x10  }
.Ltmp1:
0xdb: {  	[tilespmem:v28+s11+$0x0] =	vst.idx.add.s32.msk $0xffff, v22;
	v28 =	vand.u32 $0xFFFF, v25;
	(pc) =	sbr.rel @p0 .LBB2_5-.Ltmp1, $4  }
0xdc: {  	[tilespmem:v27+s11+$0x0] =	vst.idx.add.s32.msk $0xffff, v22;
	v27 =	vshrl.u32 v25, $0x10  }
0xdd: {  	v26 =	vand.u32 $0xFFFF, v44;
	[tilespmem:v29+s11+$0x0] =	vst.idx.add.s32.msk $0xffff, v22  }
0xde: {  	v25 =	vshrl.u32 v44, $0x10;
	[tilespmem:v30+s11+$0x0] =	vst.idx.add.s32.msk $0xffff, v22  }
0xdf: {  	v24 =	vand.u32 $0xFFFF, v24;
	[tilespmem:v31+s11+$0x0] =	vst.idx.add.s32.msk $0xffff, v22  }
0xe0: {  	_ =	sdelay $0x2  }
0xe1: {  	s18 =	sshll.u32 s17, $0x1  }
0xe2: {  	[tilespmem:v28+s11+$0x0] =	vst.idx.add.s32.msk $0xffff, v22;
	s18 =	smin.u32 s18, $0xD  }
0xe3: {  	[tilespmem:v27+s11+$0x0] =	vst.idx.add.s32.msk $0xffff, v22;
	s18 =	smul.u32 $0x5400, s18  }
0xe4: {  	[tilespmem:v26+s11+$0x0] =	vst.idx.add.s32.msk $0xffff, v22  }
0xe5: {  	[tilespmem:v25+s11+$0x0] =	vst.idx.add.s32.msk $0xffff, v22;
	s18 =	sadd.s32 s18, s6  }
0xe6: {  	s19 =	simm.s32 $0x0;
	[tilespmem:v24+s11+$0x0] =	vst.idx.add.s32.msk $0xffff, v22;
	s18 =	sshrl.u32 s18, $0x3  }
0xe7: {  	[tilespmem:v23+s11+$0x0] =	vst.idx.add.s32.msk $0xffff, v22;
	v23 =	vor.u32 s19, v21;
	s18 =	sadd.s32 s3, s18  }
0xe8: {  	v24 =	vor.u32 s19, v18;
	[tilespmem:s19], [sflag:$0x1] =	stream.linear.gather [hbm4b:s18+s19], $0x5400, $0x38;
	[tilespmem:$0x15000] =	vst v63  }
0xe9: {  	v25 =	vor.u32 s19, v11;
	_ =	swait.ge [sflag:s10], $0x5400  }
0xea: {  	v26 =	vor.u32 s19, v19;
	[sflag:s10] =	ssyncset.done $0x0  }
0xeb: {  	v27 =	vor.u32 s19, v6;
	[sflag:s10] =	ssyncadd.s32 $0xFFFFAC00  }
0xec: {  	v28 =	vor.u32 s19, v4;
	v29 =	vld.idx.msk [tilespmem:v23+s9+$0x0], $0xffff  }
0xed: {  	v30 =	vor.u32 s19, v17;
	v24 =	vld.idx.msk [tilespmem:v24+s9+$0x0], $0xffff  }
0xee: {  	v31 =	vor.u32 s19, v5;
	v25 =	vld.idx.msk [tilespmem:v25+s9+$0x0], $0xffff  }
0xef: {  	v32 =	vor.u32 s19, v15;
	v26 =	vld.idx.msk [tilespmem:v26+s9+$0x0], $0xffff  }
0xf0: {  	v33 =	vor.u32 s19, v14;
	v27 =	vld.idx.msk [tilespmem:v27+s9+$0x0], $0xffff  }
0xf1: {  	v34 =	vor.u32 s19, v13;
	v28 =	vld.idx.msk [tilespmem:v28+s9+$0x0], $0xffff  }
0xf2: {  	v23 =	vor.u32 s19, v0;
	v30 =	vld.idx.msk [tilespmem:v30+s9+$0x0], $0xffff  }
0xf3: {  	v35 =	vor.u32 s19, v2;
	v31 =	vld.idx.msk [tilespmem:v31+s9+$0x0], $0xffff  }
0xf4: {  	v36 =	vor.u32 s19, v3;
	v32 =	vld.idx.msk [tilespmem:v32+s9+$0x0], $0xffff  }
0xf5: {  	v37 =	vor.u32 s19, v12;
	v33 =	vld.idx.msk [tilespmem:v33+s9+$0x0], $0xffff  }
0xf6: {  	v38 =	vor.u32 s19, v7;
	v34 =	vld.idx.msk [tilespmem:v34+s9+$0x0], $0xffff  }
0xf7: {  	v39 =	vor.u32 s19, v8;
	v23 =	vld.idx.msk [tilespmem:v23+s9+$0x0], $0xffff  }
0xf8: {  	v40 =	vor.u32 s19, v20;
	v35 =	vld.idx.msk [tilespmem:v35+s9+$0x0], $0xffff  }
0xf9: {  	v41 =	vor.u32 s19, v10;
	v36 =	vld.idx.msk [tilespmem:v36+s9+$0x0], $0xffff  }
0xfa: {  	v42 =	vor.u32 s19, v16;
	v37 =	vld.idx.msk [tilespmem:v37+s9+$0x0], $0xffff  }
0xfb: {  	v43 =	vor.u32 s19, v9;
	v38 =	vld.idx.msk [tilespmem:v38+s9+$0x0], $0xffff  }
0xfc: {  	v39 =	vld.idx.msk [tilespmem:v39+s9+$0x0], $0xffff;
	v44 =	vand.u32 $0xFFFF, v23  }
0xfd: {  	v40 =	vld.idx.msk [tilespmem:v40+s9+$0x0], $0xffff;
	v23 =	vshrl.u32 v23, $0x10  }
0xfe: {  	v41 =	vld.idx.msk [tilespmem:v41+s9+$0x0], $0xffff;
	v45 =	vand.u32 $0xFFFF, v35  }
0xff: {  	v42 =	vld.idx.msk [tilespmem:v42+s9+$0x0], $0xffff;
	v35 =	vshrl.u32 v35, $0x10  }
0x100: {  	v43 =	vld.idx.msk [tilespmem:v43+s9+$0x0], $0xffff;
	v46 =	vand.u32 $0xFFFF, v36  }
0x101: {  	v36 =	vshrl.u32 v36, $0x10;
	[tilespmem:v44+s11+$0x0] =	vst.idx.add.s32.msk $0xffff, v22  }
0x102: {  	v59 =	vand.u32 $0xFFFF, v28;
	[tilespmem:v23+s11+$0x0] =	vst.idx.add.s32.msk $0xffff, v22  }
0x103: {  	v23 =	vshrl.u32 v28, $0x10;
	[tilespmem:v45+s11+$0x0] =	vst.idx.add.s32.msk $0xffff, v22  }
0x104: {  	v28 =	vand.u32 $0xFFFF, v31;
	[tilespmem:v35+s11+$0x0] =	vst.idx.add.s32.msk $0xffff, v22  }
0x105: {  	v31 =	vshrl.u32 v31, $0x10;
	[tilespmem:v46+s11+$0x0] =	vst.idx.add.s32.msk $0xffff, v22  }
0x106: {  	v60 =	vand.u32 $0xFFFF, v27;
	[tilespmem:v36+s11+$0x0] =	vst.idx.add.s32.msk $0xffff, v22  }
0x107: {  	v27 =	vshrl.u32 v27, $0x10;
	[tilespmem:v59+s11+$0x0] =	vst.idx.add.s32.msk $0xffff, v22  }
0x108: {  	v61 =	vand.u32 $0xFFFF, v38;
	[tilespmem:v23+s11+$0x0] =	vst.idx.add.s32.msk $0xffff, v22  }
0x109: {  	v23 =	vshrl.u32 v38, $0x10;
	[tilespmem:v28+s11+$0x0] =	vst.idx.add.s32.msk $0xffff, v22  }
0x10a: {  	v28 =	vand.u32 $0xFFFF, v39;
	[tilespmem:v31+s11+$0x0] =	vst.idx.add.s32.msk $0xffff, v22  }
0x10b: {  	v31 =	vshrl.u32 v39, $0x10;
	[tilespmem:v60+s11+$0x0] =	vst.idx.add.s32.msk $0xffff, v22  }
0x10c: {  	[tilespmem:v27+s11+$0x0] =	vst.idx.add.s32.msk $0xffff, v22;
	v27 =	vand.u32 $0xFFFF, v43  }
0x10d: {  	v62 =	vshrl.u32 v43, $0x10;
	[tilespmem:v61+s11+$0x0] =	vst.idx.add.s32.msk $0xffff, v22  }
0x10e: {  	v63 =	vand.u32 $0xFFFF, v41;
	[tilespmem:v23+s11+$0x0] =	vst.idx.add.s32.msk $0xffff, v22  }
0x10f: {  	v23 =	vshrl.u32 v41, $0x10;
	[tilespmem:v28+s11+$0x0] =	vst.idx.add.s32.msk $0xffff, v22  }
0x110: {  	v28 =	vand.u32 $0xFFFF, v25;
	[tilespmem:v31+s11+$0x0] =	vst.idx.add.s32.msk $0xffff, v22  }
0x111: {  	v25 =	vshrl.u32 v25, $0x10;
	[tilespmem:v27+s11+$0x0] =	vst.idx.add.s32.msk $0xffff, v22  }
0x112: {  	v27 =	vand.u32 $0xFFFF, v37;
	[tilespmem:v62+s11+$0x0] =	vst.idx.add.s32.msk $0xffff, v22  }
0x113: {  	v31 =	vshrl.u32 v37, $0x10;
	[tilespmem:v63+s11+$0x0] =	vst.idx.add.s32.msk $0xffff, v22  }
0x114: {  	[tilespmem:v23+s11+$0x0] =	vst.idx.add.s32.msk $0xffff, v22;
	v23 =	vand.u32 $0xFFFF, v34  }
0x115: {  	[tilespmem:v28+s11+$0x0] =	vst.idx.add.s32.msk $0xffff, v22;
	v28 =	vshrl.u32 v34, $0x10  }
0x116: {  	[tilespmem:v25+s11+$0x0] =	vst.idx.add.s32.msk $0xffff, v22;
	v25 =	vand.u32 $0xFFFF, v33  }
0x117: {  	[tilespmem:v27+s11+$0x0] =	vst.idx.add.s32.msk $0xffff, v22;
	v27 =	vshrl.u32 v33, $0x10  }
0x118: {  	[tilespmem:v31+s11+$0x0] =	vst.idx.add.s32.msk $0xffff, v22;
	v31 =	vand.u32 $0xFFFF, v32  }
0x119: {  	[tilespmem:v23+s11+$0x0] =	vst.idx.add.s32.msk $0xffff, v22;
	v23 =	vshrl.u32 v32, $0x10  }
0x11a: {  	[tilespmem:v28+s11+$0x0] =	vst.idx.add.s32.msk $0xffff, v22;
	v28 =	vand.u32 $0xFFFF, v42  }
0x11b: {  	[tilespmem:v25+s11+$0x0] =	vst.idx.add.s32.msk $0xffff, v22;
	v25 =	vshrl.u32 v42, $0x10  }
0x11c: {  	[tilespmem:v27+s11+$0x0] =	vst.idx.add.s32.msk $0xffff, v22;
	v27 =	vand.u32 $0xFFFF, v30  }
0x11d: {  	v30 =	vshrl.u32 v30, $0x10;
	[tilespmem:v31+s11+$0x0] =	vst.idx.add.s32.msk $0xffff, v22  }
0x11e: {  	v31 =	vand.u32 $0xFFFF, v24;
	[tilespmem:v23+s11+$0x0] =	vst.idx.add.s32.msk $0xffff, v22  }
0x11f: {  	v24 =	vshrl.u32 v24, $0x10;
	[tilespmem:v28+s11+$0x0] =	vst.idx.add.s32.msk $0xffff, v22  }
0x120: {  	v28 =	vand.u32 $0xFFFF, v26;
	[tilespmem:v25+s11+$0x0] =	vst.idx.add.s32.msk $0xffff, v22  }
0x121: {  	v26 =	vshrl.u32 v26, $0x10;
	[tilespmem:v27+s11+$0x0] =	vst.idx.add.s32.msk $0xffff, v22  }
0x122: {  	v27 =	vand.u32 $0xFFFF, v40;
	[tilespmem:v30+s11+$0x0] =	vst.idx.add.s32.msk $0xffff, v22  }
0x123: {  	v25 =	vshrl.u32 v40, $0x10;
	[tilespmem:v31+s11+$0x0] =	vst.idx.add.s32.msk $0xffff, v22  }
0x124: {  	s18 =	simm.s32 $0x10;
	v23 =	vshrl.u32 v29, $0x10;
	[tilespmem:v24+s11+$0x0] =	vst.idx.add.s32.msk $0xffff, v22;
	v24 =	vand.u32 $0xFFFF, v29  }
.LBB2_7:
0x125: {  	v29 =	vor.u32 s18, v0;
	v30 =	vor.u32 s18, v4;
	v31 =	vor.u32 s18, v12;
	p0 =	sne.s32 s18, $0x3F0;
	[tilespmem:v28+s11+$0x0] =	vst.idx.add.s32.msk $0xffff, v22;
	s19 =	smov.u32 s18;
	s18 =	sadd.s32 $0x10, s18  }
0x126: {  	v28 =	vor.u32 s19, v11;
	v32 =	vor.u32 s19, v13;
	v33 =	vor.u32 s19, v21;
	[tilespmem:v26+s11+$0x0] =	vst.idx.add.s32.msk $0xffff, v22  }
0x127: {  	v34 =	vor.u32 s19, v2;
	v35 =	vor.u32 s19, v14;
	v26 =	vor.u32 s19, v18;
	[tilespmem:v27+s11+$0x0] =	vst.idx.add.s32.msk $0xffff, v22  }
0x128: {  	v36 =	vor.u32 s19, v15;
	v37 =	vor.u32 s19, v19;
	v27 =	vor.u32 s19, v10;
	[tilespmem:v25+s11+$0x0] =	vst.idx.add.s32.msk $0xffff, v22  }
0x129: {  	v38 =	vor.u32 s19, v3;
	v39 =	vor.u32 s19, v6;
	v40 =	vor.u32 s19, v8;
	[tilespmem:v24+s11+$0x0] =	vst.idx.add.s32.msk $0xffff, v22  }
0x12a: {  	v41 =	vor.u32 s19, v5;
	v42 =	vor.u32 s19, v9;
	[tilespmem:v23+s11+$0x0] =	vst.idx.add.s32.msk $0xffff, v22  }
0x12b: {  	v43 =	vor.u32 s19, v17;
	v24 =	vld.idx.msk [tilespmem:v33+s9+$0x0], $0xffff  }
0x12c: {  	v26 =	vld.idx.msk [tilespmem:v26+s9+$0x0], $0xffff  }
0x12d: {  	v28 =	vld.idx.msk [tilespmem:v28+s9+$0x0], $0xffff  }
0x12e: {  	v25 =	vld.idx.msk [tilespmem:v37+s9+$0x0], $0xffff  }
0x12f: {  	v33 =	vld.idx.msk [tilespmem:v39+s9+$0x0], $0xffff  }
0x130: {  	v30 =	vld.idx.msk [tilespmem:v30+s9+$0x0], $0xffff  }
0x131: {  	v23 =	vshrl.u32 v24, $0x10;
	v29 =	vld.idx.msk [tilespmem:v29+s9+$0x0], $0xffff  }
0x132: {  	v37 =	vld.idx.msk [tilespmem:v43+s9+$0x0], $0xffff  }
0x133: {  	v39 =	vld.idx.msk [tilespmem:v41+s9+$0x0], $0xffff  }
0x134: {  	v36 =	vld.idx.msk [tilespmem:v36+s9+$0x0], $0xffff  }
0x135: {  	v41 =	vor.u32 s19, v7;
	v35 =	vld.idx.msk [tilespmem:v35+s9+$0x0], $0xffff  }
0x136: {  	v43 =	vand.u32 $0xFFFF, v30;
	v32 =	vld.idx.msk [tilespmem:v32+s9+$0x0], $0xffff  }
0x137: {  	v44 =	vor.u32 s19, v20;
	v30 =	vshrl.u32 v30, $0x10;
	v34 =	vld.idx.msk [tilespmem:v34+s9+$0x0], $0xffff  }
0x138: {  	v38 =	vld.idx.msk [tilespmem:v38+s9+$0x0], $0xffff  }
0x139: {  	v45 =	vor.u32 s19, v16;
	v46 =	vand.u32 $0xFFFF, v29;
	v31 =	vld.idx.msk [tilespmem:v31+s9+$0x0], $0xffff  }
0x13a: {  	v29 =	vshrl.u32 v29, $0x10;
	v41 =	vld.idx.msk [tilespmem:v41+s9+$0x0], $0xffff  }
0x13b: {  	v40 =	vld.idx.msk [tilespmem:v40+s9+$0x0], $0xffff  }
0x13c: {  	v44 =	vld.idx.msk [tilespmem:v44+s9+$0x0], $0xffff  }
0x13d: {  	v47 =	vand.u32 $0xFFFF, v34;
	v34 =	vshrl.u32 v34, $0x10;
	v27 =	vld.idx.msk [tilespmem:v27+s9+$0x0], $0xffff  }
0x13e: {  	v45 =	vld.idx.msk [tilespmem:v45+s9+$0x0], $0xffff  }
0x13f: {  	v48 =	vand.u32 $0xFFFF, v38;
	v42 =	vld.idx.msk [tilespmem:v42+s9+$0x0], $0xffff  }
0x140: {  	v38 =	vshrl.u32 v38, $0x10;
	[tilespmem:v46+s11+$0x0] =	vst.idx.add.s32.msk $0xffff, v22  }
0x141: {  	[tilespmem:v29+s11+$0x0] =	vst.idx.add.s32.msk $0xffff, v22;
	v29 =	vand.u32 $0xFFFF, v39  }
0x142: {  	[tilespmem:v47+s11+$0x0] =	vst.idx.add.s32.msk $0xffff, v22  }
0x143: {  	[tilespmem:v34+s11+$0x0] =	vst.idx.add.s32.msk $0xffff, v22;
	v34 =	vand.u32 $0xFFFF, v41  }
0x144: {  	v39 =	vshrl.u32 v39, $0x10;
	v41 =	vshrl.u32 v41, $0x10;
	[tilespmem:v48+s11+$0x0] =	vst.idx.add.s32.msk $0xffff, v22  }
0x145: {  	v46 =	vand.u32 $0xFFFF, v40;
	[tilespmem:v38+s11+$0x0] =	vst.idx.add.s32.msk $0xffff, v22;
	v38 =	vand.u32 $0xFFFF, v33  }
0x146: {  	v40 =	vshrl.u32 v40, $0x10;
	v33 =	vshrl.u32 v33, $0x10;
	[tilespmem:v43+s11+$0x0] =	vst.idx.add.s32.msk $0xffff, v22  }
0x147: {  	[tilespmem:v30+s11+$0x0] =	vst.idx.add.s32.msk $0xffff, v22  }
0x148: {  	[tilespmem:v29+s11+$0x0] =	vst.idx.add.s32.msk $0xffff, v22  }
0x149: {  	[tilespmem:v39+s11+$0x0] =	vst.idx.add.s32.msk $0xffff, v22  }
0x14a: {  	[tilespmem:v38+s11+$0x0] =	vst.idx.add.s32.msk $0xffff, v22  }
0x14b: {  	v30 =	vand.u32 $0xFFFF, v27;
	v29 =	vand.u32 $0xFFFF, v42;
	[tilespmem:v33+s11+$0x0] =	vst.idx.add.s32.msk $0xffff, v22  }
0x14c: {  	v33 =	vshrl.u32 v42, $0x10;
	[tilespmem:v34+s11+$0x0] =	vst.idx.add.s32.msk $0xffff, v22  }
0x14d: {  	[tilespmem:v41+s11+$0x0] =	vst.idx.add.s32.msk $0xffff, v22  }
0x14e: {  	v27 =	vshrl.u32 v27, $0x10;
	[tilespmem:v46+s11+$0x0] =	vst.idx.add.s32.msk $0xffff, v22  }
0x14f: {  	v34 =	vand.u32 $0xFFFF, v28;
	[tilespmem:v40+s11+$0x0] =	vst.idx.add.s32.msk $0xffff, v22  }
0x150: {  	v28 =	vshrl.u32 v28, $0x10;
	[tilespmem:v29+s11+$0x0] =	vst.idx.add.s32.msk $0xffff, v22  }
0x151: {  	v29 =	vand.u32 $0xFFFF, v31;
	[tilespmem:v33+s11+$0x0] =	vst.idx.add.s32.msk $0xffff, v22  }
0x152: {  	[tilespmem:v30+s11+$0x0] =	vst.idx.add.s32.msk $0xffff, v22;
	v30 =	vshrl.u32 v31, $0x10  }
0x153: {  	[tilespmem:v27+s11+$0x0] =	vst.idx.add.s32.msk $0xffff, v22;
	v27 =	vand.u32 $0xFFFF, v32  }
0x154: {  	v31 =	vshrl.u32 v32, $0x10;
	[tilespmem:v34+s11+$0x0] =	vst.idx.add.s32.msk $0xffff, v22  }
0x155: {  	[tilespmem:v28+s11+$0x0] =	vst.idx.add.s32.msk $0xffff, v22;
	v28 =	vand.u32 $0xFFFF, v35  }
0x156: {  	[tilespmem:v29+s11+$0x0] =	vst.idx.add.s32.msk $0xffff, v22;
	v29 =	vshrl.u32 v35, $0x10  }
0x157: {  	[tilespmem:v30+s11+$0x0] =	vst.idx.add.s32.msk $0xffff, v22;
	v30 =	vand.u32 $0xFFFF, v36  }
0x158: {  	[tilespmem:v27+s11+$0x0] =	vst.idx.add.s32.msk $0xffff, v22;
	v27 =	vshrl.u32 v36, $0x10  }
0x159: {  	[tilespmem:v31+s11+$0x0] =	vst.idx.add.s32.msk $0xffff, v22;
	v31 =	vand.u32 $0xFFFF, v45  }
0x15a: {  	[tilespmem:v28+s11+$0x0] =	vst.idx.add.s32.msk $0xffff, v22;
	v28 =	vshrl.u32 v45, $0x10  }
0x15b: {  	[tilespmem:v29+s11+$0x0] =	vst.idx.add.s32.msk $0xffff, v22;
	v29 =	vand.u32 $0xFFFF, v37  }
0x15c: {  	[tilespmem:v30+s11+$0x0] =	vst.idx.add.s32.msk $0xffff, v22;
	v30 =	vshrl.u32 v37, $0x10  }
0x15d: {  	v32 =	vand.u32 $0xFFFF, v26;
	[tilespmem:v27+s11+$0x0] =	vst.idx.add.s32.msk $0xffff, v22  }
0x15e: {  	[tilespmem:v31+s11+$0x0] =	vst.idx.add.s32.msk $0xffff, v22;
	v31 =	vshrl.u32 v26, $0x10  }
.Ltmp2:
0x15f: {  	[tilespmem:v28+s11+$0x0] =	vst.idx.add.s32.msk $0xffff, v22;
	v28 =	vand.u32 $0xFFFF, v25;
	(pc) =	sbr.rel @p0 .LBB2_7-.Ltmp2, $4  }
0x160: {  	v26 =	vshrl.u32 v25, $0x10;
	[tilespmem:v29+s11+$0x0] =	vst.idx.add.s32.msk $0xffff, v22  }
0x161: {  	v27 =	vand.u32 $0xFFFF, v44;
	[tilespmem:v30+s11+$0x0] =	vst.idx.add.s32.msk $0xffff, v22  }
0x162: {  	v25 =	vshrl.u32 v44, $0x10;
	[tilespmem:v32+s11+$0x0] =	vst.idx.add.s32.msk $0xffff, v22  }
0x163: {  	v24 =	vand.u32 $0xFFFF, v24;
	[tilespmem:v31+s11+$0x0] =	vst.idx.add.s32.msk $0xffff, v22  }
0x164: {  	_ =	sdelay $0x2  }
0x165: {  	s17 =	sadd.s32 $0x1, s17  }
0x166: {  	[tilespmem:v28+s11+$0x0] =	vst.idx.add.s32.msk $0xffff, v22;
	p0 =	sne.s32 s17, $0x8  }
.Ltmp3:
0x167: {  	[tilespmem:v26+s11+$0x0] =	vst.idx.add.s32.msk $0xffff, v22;
	(pc) =	sbr.rel @p0 .LBB2_4-.Ltmp3, $4  }
0x168: {  	[tilespmem:v27+s11+$0x0] =	vst.idx.add.s32.msk $0xffff, v22  }
0x169: {  	[tilespmem:v25+s11+$0x0] =	vst.idx.add.s32.msk $0xffff, v22  }
0x16a: {  	[tilespmem:v24+s11+$0x0] =	vst.idx.add.s32.msk $0xffff, v22  }
0x16b: {  	[tilespmem:v23+s11+$0x0] =	vst.idx.add.s32.msk $0xffff, v22  }
0x16c: {  	_ =	swait.ge [sflag:s10], $0x5400;
	s15 =	sadd.s32 $0x1, s15  }
0x16d: {  	[sflag:s10] =	ssyncset.done $0x0;
	p0 =	sne.s32 s15, s8  }
.Ltmp4:
0x16e: {  	[sflag:s10] =	ssyncadd.s32 $0xFFFFAC00;
	(pc) =	sbr.rel @p0 .LBB2_1-.Ltmp4, $4  }
0x16f: {  	[hbm4b:s7+s12] =	stream.strided.scatter [tilespmem:s11], [sflag:$0x2], $0xA800, s13, s12, $0x38;
	[tilespmem:$0x15000] =	vst v63  }
0x170: {  	_ =	swait.ge [sflag:s14], $0xA800  }
0x171: {  	[sflag:s14] =	ssyncset.done $0x0  }
0x172: {  	[sflag:s14] =	ssyncadd.s32 $0xFFFF5800  }
0x173: {  	_ =	sfence.sel $0x180000  }
0x174: {  	[bflag:$0x0] =	sbarrier.arrive $0xFFFF  }
0x175: {  	p0 =	sne.s32 s0, $0x0;
	_ =	strace $0x90000047  }
0x176: {  	s0 =	sadd.s32 @!p0 $0x100000, s1;
	[bflag:$0x2] =	sbarrier.arrive $0xFFFF  }
0x177: {  	[sflag:s0] =	ssyncadd.tile.s32 @!p0 $0x1;
	_ =	shalt  }
.Lfunc_end2:
_tile_overlayer_lowered:
.L_overlay_start_2:
0x178: {  	(tag) =	ssettag $0x2  }
0x179: {  	s0 =	rddreg [dreg:$0x0];
	s2 =	stileid.u32  }
0x17a: {  	s1 =	rddreg [dreg:$0x1];
	p0 =	sne.s32 s2, $0x0  }
0x17b: {  	s3 =	rddreg [dreg:$0x2];
	[bflag:$0x3] =	sbarrier.arrive $0xFFFF;
	s2 =	simm.s32 @!p0 $0x1C02  }
0x17c: {  	[timem:s3], [sflag:s2] =	dma.local @!p0 [hbm:s0], s1  }
0x17d: {  	s0 =	simm.s32 @!p0 $0x2  }
0x17e: {  	_ =	swait.ge @!p0 [sflag:s0], s1  }
0x17f: {  	s1 =	ssub.s32 @!p0 $0x0, s1;
	[sflag:s0] =	ssyncset.done @!p0 $0x0  }
0x180: {  	[sflag:s0] =	ssyncadd.s32 @!p0 s1  }
0x181: {  	[bflag:$0x3] =	sbarrier.arrive $0xFFFF  }
0x182: {  	_ =	shalt  }

</sc_bundles>
